<compile_context>
chip_gen: v7x
topology: tpu7x:2x2x1
jax: 0.10.2.dev20260603
libtpu: 0.0.44.dev20260713+nightly
codegen_flags: <defaults>
</compile_context>

<pallas_src>
import functools

import jax
import jax.numpy as jnp
from jax import lax
from jax.experimental import pallas as pl
from jax.experimental.pallas import tpu as pltpu
from jax.experimental.pallas import tpu_sc as plsc

N_NODES = 50000
E_EDGES = 1600000
NC = 2
NS = 16
NW = NC * NS
L = 16
CH = 512
SUB = 128
NCHT = E_EDGES // CH
G = CH // L


def _sc_edge_sum(table, src, dst, meas, params):
    mesh = plsc.VectorSubcoreMesh(core_axis_name="c", subcore_axis_name="s")

    @functools.partial(
        pl.kernel,
        out_type=jax.ShapeDtypeStruct((NW, L), jnp.float32),
        mesh=mesh,
        compiler_params=pltpu.CompilerParams(
            use_tc_tiling_on_sc=False, needs_layout_passes=False),
        scratch_types=[
            pltpu.VMEM((CH,), jnp.int32),
            pltpu.VMEM((CH,), jnp.int32),
            pltpu.VMEM((CH, L), jnp.float32),
            pltpu.VMEM((CH, L), jnp.float32),
            pltpu.VMEM((CH * 9,), jnp.float32),
            pltpu.VMEM((2, L), jnp.float32),
            pltpu.VMEM((L,), jnp.float32),
            pltpu.SemaphoreType.DMA,
        ],
    )
    def k(table_h, src_h, dst_h, meas_h, par_h, out_h,
          idx_s, idx_d, rows_s, rows_d, meas_v, par_v, acc_v, sem):
        w = lax.axis_index("s") * NC + lax.axis_index("c")
        pltpu.sync_copy(par_h, par_v)
        bw = par_v[0, :]
        bb = par_v[1, :]
        iota = lax.iota(jnp.int32, L)
        iota9 = iota * 9
        cols = [jnp.full((L,), j, jnp.int32) for j in range(9)]
        half = jnp.full((L,), 0.5, jnp.float32)
        thalf = jnp.full((L,), 1.5, jnp.float32)
        one = jnp.full((L,), 1.0, jnp.float32)
        magic = jnp.full((L,), 0x5F3759DF, jnp.int32)

        n_my = (NCHT - w + NW - 1) // NW

        def chunk_body(t, acc):
            base = (w + t * NW) * CH
            pltpu.sync_copy(src_h.at[pl.ds(base, CH)], idx_s)
            pltpu.sync_copy(dst_h.at[pl.ds(base, CH)], idx_d)
            base9 = base * 9
            descs = []
            for kk in range(CH // SUB):
                o = kk * SUB
                descs.append(pltpu.async_copy(
                    table_h.at[idx_s.at[pl.ds(o, SUB)]],
                    rows_s.at[pl.ds(o, SUB)], sem))
                descs.append(pltpu.async_copy(
                    table_h.at[idx_d.at[pl.ds(o, SUB)]],
                    rows_d.at[pl.ds(o, SUB)], sem))
            descs.append(pltpu.async_copy(
                meas_h.at[pl.ds(base9, CH * 9)], meas_v, sem))
            for dsc in descs:
                dsc.wait()

            def group_body(g, acc_g):
                rid = g * L + iota
                b9 = g * (L * 9) + iota9
                a = [plsc.load_gather(rows_s, [rid, cols[j]]) for j in range(9)]
                b = [plsc.load_gather(meas_v, [b9 + j]) for j in range(9)]
                d = [plsc.load_gather(rows_d, [rid, cols[j]]) for j in range(9)]
                s = None
                for r in range(3):
                    for c in range(3):
                        m = (a[3 * r] * b[c] + a[3 * r + 1] * b[3 + c]
                             + a[3 * r + 2] * b[6 + c])
                        df = m - d[3 * r + c]
                        s = df * df if s is None else s + df * df
                y = plsc.bitcast(magic - lax.shift_right_logical(
                    plsc.bitcast(s, jnp.int32), 1), jnp.float32)
                hs = half * s
                for _ in range(3):
                    y = y * (thalf - hs * y * y)
                t_cost = s * y
                x = bw * t_cost + bb
                p = one / (one + jnp.exp(-x))
                return acc_g + p

            return lax.fori_loop(0, G, group_body, acc, unroll=False)

        acc = lax.fori_loop(0, n_my, chunk_body,
                            jnp.zeros((L,), jnp.float32), unroll=False)
        acc_v[...] = acc
        pltpu.sync_copy(acc_v, out_h.at[w])

    return k(table, src, dst, meas, params)


def kernel(rot_v, edge_index, rot_meas, beta_w, beta_b, lin_w, lin_b):
    n = rot_v.shape[0]
    table = jnp.pad(rot_v.reshape(n, 9), ((0, 0), (0, 7)))
    src = edge_index[0]
    dst = edge_index[1]
    meas = rot_meas.reshape(-1)
    params = jnp.concatenate(
        [jnp.broadcast_to(beta_w.reshape(1, 1), (1, L)),
         jnp.broadcast_to(beta_b.reshape(1, 1), (1, L))], axis=0)
    partials = _sc_edge_sum(table, src, dst, meas, params)
    mean_cost = jnp.sum(partials) / n
    return mean_cost * lin_w.T + lin_b[None, :]

# --- scband reference (transcript-rebuilt; emitter-appended) ---
"""Pipeline reference for scband-rot-conv-30434138260255 (READ-ONLY COPY).

The authoritative reference and input builder live on the scoring server;
editing this copy changes nothing except your own understanding.
"""

import jax, jax.numpy as jnp
import numpy as np

N = 50000
E = 1600000
OUT_FEAT = 256

def setup_inputs(seed: int = 0):
    key = jax.random.key(seed)
    k1, k2, k3, k4, k5, k6, k7 = jax.random.split(key, 7)
    rot_v = jax.random.normal(k1, (N, 3, 3), dtype=jnp.float32)
    rot_meas = jax.random.normal(k2, (E, 3, 3), dtype=jnp.float32)
    edge_index = jax.random.randint(k3, (2, E), 0, N, dtype=jnp.int32)
    beta_w = jax.random.normal(k4, (1, 1), dtype=jnp.float32)
    beta_b = jax.random.normal(k5, (1,), dtype=jnp.float32)
    lin_w = jax.random.normal(k6, (OUT_FEAT, 1), dtype=jnp.float32) * 0.1
    lin_b = jax.random.normal(k7, (OUT_FEAT,), dtype=jnp.float32) * 0.1
    return {"rot_v": rot_v, "edge_index": edge_index, "rot_meas": rot_meas,
            "beta_w": beta_w, "beta_b": beta_b, "lin_w": lin_w, "lin_b": lin_b}

def reference(rot_v, edge_index, rot_meas, beta_w, beta_b, lin_w, lin_b):
    src = edge_index[0]
    dst = edge_index[1]
    # apply_edges: per-edge Frobenius norm of (src_rot @ rot_meas - dst_rot)
    src_rot = jnp.take(rot_v, src, axis=0)           # [E, 3, 3] gather
    dst_rot = jnp.take(rot_v, dst, axis=0)           # [E, 3, 3] gather
    diff = jnp.matmul(src_rot, rot_meas) - dst_rot   # [E, 3, 3]
    tmp_cost = jnp.sqrt(jnp.sum(diff * diff, axis=(-2, -1)))[:, None]  # [E, 1]
    # edata['tmp_cost'] = sigmoid(beta(tmp_cost)); beta is Linear(1, 1)
    tmp_cost = jax.nn.sigmoid(tmp_cost @ beta_w.T + beta_b)             # [E, 1]
    # update_all(copy_e, sum): scatter-add edge costs onto dst nodes
    cost = jnp.zeros((rot_v.shape[0], 1), dtype=tmp_cost.dtype).at[dst].add(tmp_cost)  # [N, 1]
    # dgl.mean_nodes over the single graph -> [1, 1]
    mean_cost = jnp.mean(cost, axis=0, keepdims=True)
    # linear1: Linear(1, out_feat)
    return mean_cost @ lin_w.T + lin_b               # [1, OUT_FEAT]

if __name__ == "__main__":
    import jax
    _d = setup_inputs()
    print(jax.jit(kernel)(*tuple(_d.values())))

</pallas_src>

<mosaic_0001>
#map = affine_map<(d0, d1) -> (0, 0)>
#map1 = affine_map<(d0, d1) -> (0)>
module attributes {stable_mosaic.version = 14 : i64} {
  func.func @k(%arg0: i32, %arg1: i32, %arg2: memref<50000x16xf32, #tpu.memory_space<hbm>>, %arg3: memref<1600000xi32, #tpu.memory_space<hbm>>, %arg4: memref<1600000xi32, #tpu.memory_space<hbm>>, %arg5: memref<14400000xf32, #tpu.memory_space<hbm>>, %arg6: memref<2x16xf32, #tpu.memory_space<hbm>>, %arg7: memref<32x16xf32, #tpu.memory_space<hbm>>, %arg8: memref<512xi32, #tpu.memory_space<vmem>>, %arg9: memref<512xi32, #tpu.memory_space<vmem>>, %arg10: memref<512x16xf32, #tpu.memory_space<vmem>>, %arg11: memref<512x16xf32, #tpu.memory_space<vmem>>, %arg12: memref<4608xf32, #tpu.memory_space<vmem>>, %arg13: memref<2x16xf32, #tpu.memory_space<vmem>>, %arg14: memref<16xf32, #tpu.memory_space<vmem>>, %arg15: memref<!tpu.dma_semaphore, #tpu.memory_space<semaphore_mem>>) attributes {dimension_semantics = [#tpu.dimension_semantics<core_parallel>, #tpu.dimension_semantics<subcore_parallel>], iteration_bounds = array<i64: 2, 16>, scalar_prefetch = 0 : i64, scratch_operands = 8 : i64, tpu.core_type = #tpu.core_type<sc_vector_subcore>, window_params = [{transform_indices = #map}, {transform_indices = #map1}, {transform_indices = #map1}, {transform_indices = #map1}, {transform_indices = #map}, {transform_indices = #map}]} {
    %mul3A = arith.constant 2 : i32
    %mul3A_0 = arith.muli %arg1, %mul3A : i32
    %add3A = arith.addi %mul3A_0, %arg0 : i32
    "tpu.region"() ({
      %run_scoped3A = tpu.sem_alloc : memref<!tpu.dma_semaphore, #tpu.memory_space<semaphore_mem>>
      tpu.enqueue_dma source(%arg6 : memref<2x16xf32, #tpu.memory_space<hbm>>) target(%arg13 : memref<2x16xf32, #tpu.memory_space<vmem>>) target_semaphore(%run_scoped3A : memref<!tpu.dma_semaphore, #tpu.memory_space<semaphore_mem>>)
      tpu.wait_dma2 semaphore(%run_scoped3A : memref<!tpu.dma_semaphore, #tpu.memory_space<semaphore_mem>>) src(%arg6 : memref<2x16xf32, #tpu.memory_space<hbm>>) dst(%arg13 : memref<2x16xf32, #tpu.memory_space<vmem>>)
      tpu.yield
    }) : () -> ()
    %get3A = arith.constant 0 : i32
    %get3A_1 = arith.index_cast %get3A : i32 to index
    %get3A_2 = arith.constant 0 : index
    %get3A_3 = tpu.vector_load %arg13[%get3A_1, %get3A_2] {strides = array<i32>} : memref<2x16xf32, #tpu.memory_space<vmem>>, vector<16xf32>,
    %get3A_4 = arith.constant 1 : i32
    %get3A_5 = arith.index_cast %get3A_4 : i32 to index
    %get3A_6 = arith.constant 0 : index
    %get3A_7 = tpu.vector_load %arg13[%get3A_5, %get3A_6] {strides = array<i32>} : memref<2x16xf32, #tpu.memory_space<vmem>>, vector<16xf32>,
    %iota3A = tpu.iota {dimensions = array<i32: 0>} : vector<16xi32>
    %mul3A_8 = arith.constant 9 : i32
    %mul3A_9 = vector.broadcast %mul3A_8 : i32 to vector<16xi32>
    %mul3A_10 = arith.muli %iota3A, %mul3A_9 : vector<16xi32>
    %broadcast_in_dim3A = arith.constant 0 : i32
    %broadcast_in_dim3A_11 = vector.broadcast %broadcast_in_dim3A : i32 to vector<16xi32>
    %broadcast_in_dim3A_12 = arith.constant 1 : i32
    %broadcast_in_dim3A_13 = vector.broadcast %broadcast_in_dim3A_12 : i32 to vector<16xi32>
    %broadcast_in_dim3A_14 = arith.constant 2 : i32
    %broadcast_in_dim3A_15 = vector.broadcast %broadcast_in_dim3A_14 : i32 to vector<16xi32>
    %broadcast_in_dim3A_16 = arith.constant 3 : i32
    %broadcast_in_dim3A_17 = vector.broadcast %broadcast_in_dim3A_16 : i32 to vector<16xi32>
    %broadcast_in_dim3A_18 = arith.constant 4 : i32
    %broadcast_in_dim3A_19 = vector.broadcast %broadcast_in_dim3A_18 : i32 to vector<16xi32>
    %broadcast_in_dim3A_20 = arith.constant 5 : i32
    %broadcast_in_dim3A_21 = vector.broadcast %broadcast_in_dim3A_20 : i32 to vector<16xi32>
    %broadcast_in_dim3A_22 = arith.constant 6 : i32
    %broadcast_in_dim3A_23 = vector.broadcast %broadcast_in_dim3A_22 : i32 to vector<16xi32>
    %broadcast_in_dim3A_24 = arith.constant 7 : i32
    %broadcast_in_dim3A_25 = vector.broadcast %broadcast_in_dim3A_24 : i32 to vector<16xi32>
    %broadcast_in_dim3A_26 = arith.constant 8 : i32
    %broadcast_in_dim3A_27 = vector.broadcast %broadcast_in_dim3A_26 : i32 to vector<16xi32>
    %broadcast_in_dim3A_28 = arith.constant 5.000000e-01 : f32
    %broadcast_in_dim3A_29 = vector.broadcast %broadcast_in_dim3A_28 : f32 to vector<16xf32>
    %broadcast_in_dim3A_30 = arith.constant 1.500000e+00 : f32
    %broadcast_in_dim3A_31 = vector.broadcast %broadcast_in_dim3A_30 : f32 to vector<16xf32>
    %broadcast_in_dim3A_32 = arith.constant 1.000000e+00 : f32
    %broadcast_in_dim3A_33 = vector.broadcast %broadcast_in_dim3A_32 : f32 to vector<16xf32>
    %broadcast_in_dim3A_34 = arith.constant 1597463007 : i32
    %broadcast_in_dim3A_35 = vector.broadcast %broadcast_in_dim3A_34 : i32 to vector<16xi32>
    %sub3A = arith.constant 3125 : i32
    %sub3A_36 = arith.subi %sub3A, %add3A : i32
    %add3A_37 = arith.constant 32 : i32
    %add3A_38 = arith.addi %sub3A_36, %add3A_37 : i32
    %sub3A_39 = arith.constant 1 : i32
    %sub3A_40 = arith.subi %add3A_38, %sub3A_39 : i32
    %jit3A = arith.constant 32 : i32
    %div3A = arith.divsi %sub3A_40, %jit3A : i32
    %sign3A = arith.constant 0 : i32
    %sign3A_41 = arith.cmpi sgt, %sub3A_40, %sign3A : i32
    %sign3A_42 = arith.extui %sign3A_41 : i1 to i32
    %sign3A_43 = arith.constant 0 : i32
    %sign3A_44 = arith.cmpi slt, %sub3A_40, %sign3A_43 : i32
    %sign3A_45 = arith.extui %sign3A_44 : i1 to i32
    %sign3A_46 = arith.subi %sign3A_42, %sign3A_45 : i32
    %sign3A_47 = arith.constant 0 : i32
    %sign3A_48 = arith.cmpi sgt, %jit3A, %sign3A_47 : i32
    %sign3A_49 = arith.extui %sign3A_48 : i1 to i32
    %sign3A_50 = arith.constant 0 : i32
    %sign3A_51 = arith.cmpi slt, %jit3A, %sign3A_50 : i32
    %sign3A_52 = arith.extui %sign3A_51 : i1 to i32
    %sign3A_53 = arith.subi %sign3A_49, %sign3A_52 : i32
    %ne3A = arith.cmpi ne, %sign3A_46, %sign3A_53 : i32
    %rem3A = arith.remsi %sub3A_40, %jit3A : i32
    %ne3A_54 = arith.constant 0 : i32
    %ne3A_55 = arith.cmpi ne, %rem3A, %ne3A_54 : i32
    %and3A = arith.andi %ne3A, %ne3A_55 : i1
    %sub3A_56 = arith.constant 1 : i32
    %sub3A_57 = arith.subi %div3A, %sub3A_56 : i32
    %select_n3A = arith.select %and3A, %sub3A_57, %div3A : i32
    %broadcast_in_dim3A_58 = arith.constant 0.000000e+00 : f32
    %broadcast_in_dim3A_59 = vector.broadcast %broadcast_in_dim3A_58 : f32 to vector<16xf32>
    %while3A = arith.constant 0 : i32
    %while3A_60 = arith.subi %select_n3A, %while3A : i32
    %while3A_61 = arith.addi %while3A, %while3A_60 : i32
    %while3A_62 = arith.constant 1 : i32
    %while3A_63 = arith.divsi %while3A_60, %while3A_62 : i32
    %while3A_64 = arith.muli %while3A_63, %while3A_62 : i32
    %while3A_65 = arith.addi %while3A, %while3A_64 : i32
    %while3A_66 = arith.constant 1 : i32
    %while3A_67 = scf.for %while3A_71 = %while3A to %while3A_65 step %while3A_66 iter_args(%while3A_72 = %broadcast_in_dim3A_59) -> (vector<16xf32>)  : i32 {
      %mul3A_73 = arith.constant 32 : i32
      %mul3A_74 = arith.muli %while3A_71, %mul3A_73 : i32
      %add3A_75 = arith.addi %add3A, %mul3A_74 : i32
      %mul3A_76 = arith.constant 512 : i32
      %mul3A_77 = arith.muli %add3A_75, %mul3A_76 : i32
      "tpu.region"() ({
        %run_scoped3A = tpu.sem_alloc : memref<!tpu.dma_semaphore, #tpu.memory_space<semaphore_mem>>
        %dma_start3A_215 = tpu.memref_slice %arg3[%mul3A_77] : memref<1600000xi32, #tpu.memory_space<hbm>> -> memref<512xi32, #tpu.memory_space<hbm>>
        %dma_start3A_216 = tpu.memref_slice %arg3[%mul3A_77] : memref<1600000xi32, #tpu.memory_space<hbm>> -> memref<512xi32, #tpu.memory_space<hbm>>
        tpu.enqueue_dma source(%dma_start3A_216 : memref<512xi32, #tpu.memory_space<hbm>>) target(%arg8 : memref<512xi32, #tpu.memory_space<vmem>>) target_semaphore(%run_scoped3A : memref<!tpu.dma_semaphore, #tpu.memory_space<semaphore_mem>>)
        %dma_wait3A_217 = tpu.memref_slice %arg3[%mul3A_77] : memref<1600000xi32, #tpu.memory_space<hbm>> -> memref<512xi32, #tpu.memory_space<hbm>>
        %dma_wait3A_218 = tpu.memref_slice %arg3[%mul3A_77] : memref<1600000xi32, #tpu.memory_space<hbm>> -> memref<512xi32, #tpu.memory_space<hbm>>
        tpu.wait_dma2 semaphore(%run_scoped3A : memref<!tpu.dma_semaphore, #tpu.memory_space<semaphore_mem>>) src(%dma_wait3A_218 : memref<512xi32, #tpu.memory_space<hbm>>) dst(%arg8 : memref<512xi32, #tpu.memory_space<vmem>>)
        tpu.yield
      }) : () -> ()
      "tpu.region"() ({
        %run_scoped3A = tpu.sem_alloc : memref<!tpu.dma_semaphore, #tpu.memory_space<semaphore_mem>>
        %dma_start3A_215 = tpu.memref_slice %arg4[%mul3A_77] : memref<1600000xi32, #tpu.memory_space<hbm>> -> memref<512xi32, #tpu.memory_space<hbm>>
        %dma_start3A_216 = tpu.memref_slice %arg4[%mul3A_77] : memref<1600000xi32, #tpu.memory_space<hbm>> -> memref<512xi32, #tpu.memory_space<hbm>>
        tpu.enqueue_dma source(%dma_start3A_216 : memref<512xi32, #tpu.memory_space<hbm>>) target(%arg9 : memref<512xi32, #tpu.memory_space<vmem>>) target_semaphore(%run_scoped3A : memref<!tpu.dma_semaphore, #tpu.memory_space<semaphore_mem>>)
        %dma_wait3A_217 = tpu.memref_slice %arg4[%mul3A_77] : memref<1600000xi32, #tpu.memory_space<hbm>> -> memref<512xi32, #tpu.memory_space<hbm>>
        %dma_wait3A_218 = tpu.memref_slice %arg4[%mul3A_77] : memref<1600000xi32, #tpu.memory_space<hbm>> -> memref<512xi32, #tpu.memory_space<hbm>>
        tpu.wait_dma2 semaphore(%run_scoped3A : memref<!tpu.dma_semaphore, #tpu.memory_space<semaphore_mem>>) src(%dma_wait3A_218 : memref<512xi32, #tpu.memory_space<hbm>>) dst(%arg9 : memref<512xi32, #tpu.memory_space<vmem>>)
        tpu.yield
      }) : () -> ()
      %mul3A_78 = arith.constant 9 : i32
      %mul3A_79 = arith.muli %mul3A_77, %mul3A_78 : i32
      %dma_start3A = arith.constant 0 : i32
      %dma_start3A_80 = arith.constant 0 : i32
      %dma_start3A_81 = tpu.memref_slice %arg10[%dma_start3A, %dma_start3A_80] : memref<512x16xf32, #tpu.memory_space<vmem>> -> memref<128x16xf32, #tpu.memory_space<vmem>>
      %dma_start3A_82 = arith.constant 0 : i32
      %dma_start3A_83 = tpu.memref_slice %arg8[%dma_start3A_82] : memref<512xi32, #tpu.memory_space<vmem>> -> memref<128xi32, #tpu.memory_space<vmem>>
      %dma_start3A_84 = arith.constant 0 : i32
      %dma_start3A_85 = arith.constant 0 : i32
      %dma_start3A_86 = tpu.memref_slice %arg2[%dma_start3A_84, %dma_start3A_85] : memref<50000x16xf32, #tpu.memory_space<hbm>> -> memref<50000x16xf32, #tpu.memory_space<hbm>>
      tpu.enqueue_indirect_dma source(%dma_start3A_86 : memref<50000x16xf32, #tpu.memory_space<hbm>>) target(%dma_start3A_81 : memref<128x16xf32, #tpu.memory_space<vmem>>) offsets(%dma_start3A_83 : memref<128xi32, #tpu.memory_space<vmem>>) semaphore(%arg15 : memref<!tpu.dma_semaphore, #tpu.memory_space<semaphore_mem>>)
      %dma_start3A_87 = arith.constant 0 : i32
      %dma_start3A_88 = arith.constant 0 : i32
      %dma_start3A_89 = tpu.memref_slice %arg11[%dma_start3A_87, %dma_start3A_88] : memref<512x16xf32, #tpu.memory_space<vmem>> -> memref<128x16xf32, #tpu.memory_space<vmem>>
      %dma_start3A_90 = arith.constant 0 : i32
      %dma_start3A_91 = tpu.memref_slice %arg9[%dma_start3A_90] : memref<512xi32, #tpu.memory_space<vmem>> -> memref<128xi32, #tpu.memory_space<vmem>>
      %dma_start3A_92 = arith.constant 0 : i32
      %dma_start3A_93 = arith.constant 0 : i32
      %dma_start3A_94 = tpu.memref_slice %arg2[%dma_start3A_92, %dma_start3A_93] : memref<50000x16xf32, #tpu.memory_space<hbm>> -> memref<50000x16xf32, #tpu.memory_space<hbm>>
      tpu.enqueue_indirect_dma source(%dma_start3A_94 : memref<50000x16xf32, #tpu.memory_space<hbm>>) target(%dma_start3A_89 : memref<128x16xf32, #tpu.memory_space<vmem>>) offsets(%dma_start3A_91 : memref<128xi32, #tpu.memory_space<vmem>>) semaphore(%arg15 : memref<!tpu.dma_semaphore, #tpu.memory_space<semaphore_mem>>)
      %dma_start3A_95 = arith.constant 128 : i32
      %dma_start3A_96 = arith.constant 0 : i32
      %dma_start3A_97 = tpu.memref_slice %arg10[%dma_start3A_95, %dma_start3A_96] : memref<512x16xf32, #tpu.memory_space<vmem>> -> memref<128x16xf32, #tpu.memory_space<vmem>>
      %dma_start3A_98 = arith.constant 128 : i32
      %dma_start3A_99 = tpu.memref_slice %arg8[%dma_start3A_98] : memref<512xi32, #tpu.memory_space<vmem>> -> memref<128xi32, #tpu.memory_space<vmem>>
      %dma_start3A_100 = arith.constant 0 : i32
      %dma_start3A_101 = arith.constant 0 : i32
      %dma_start3A_102 = tpu.memref_slice %arg2[%dma_start3A_100, %dma_start3A_101] : memref<50000x16xf32, #tpu.memory_space<hbm>> -> memref<50000x16xf32, #tpu.memory_space<hbm>>
      tpu.enqueue_indirect_dma source(%dma_start3A_102 : memref<50000x16xf32, #tpu.memory_space<hbm>>) target(%dma_start3A_97 : memref<128x16xf32, #tpu.memory_space<vmem>>) offsets(%dma_start3A_99 : memref<128xi32, #tpu.memory_space<vmem>>) semaphore(%arg15 : memref<!tpu.dma_semaphore, #tpu.memory_space<semaphore_mem>>)
      %dma_start3A_103 = arith.constant 128 : i32
      %dma_start3A_104 = arith.constant 0 : i32
      %dma_start3A_105 = tpu.memref_slice %arg11[%dma_start3A_103, %dma_start3A_104] : memref<512x16xf32, #tpu.memory_space<vmem>> -> memref<128x16xf32, #tpu.memory_space<vmem>>
      %dma_start3A_106 = arith.constant 128 : i32
      %dma_start3A_107 = tpu.memref_slice %arg9[%dma_start3A_106] : memref<512xi32, #tpu.memory_space<vmem>> -> memref<128xi32, #tpu.memory_space<vmem>>
      %dma_start3A_108 = arith.constant 0 : i32
      %dma_start3A_109 = arith.constant 0 : i32
      %dma_start3A_110 = tpu.memref_slice %arg2[%dma_start3A_108, %dma_start3A_109] : memref<50000x16xf32, #tpu.memory_space<hbm>> -> memref<50000x16xf32, #tpu.memory_space<hbm>>
      tpu.enqueue_indirect_dma source(%dma_start3A_110 : memref<50000x16xf32, #tpu.memory_space<hbm>>) target(%dma_start3A_105 : memref<128x16xf32, #tpu.memory_space<vmem>>) offsets(%dma_start3A_107 : memref<128xi32, #tpu.memory_space<vmem>>) semaphore(%arg15 : memref<!tpu.dma_semaphore, #tpu.memory_space<semaphore_mem>>)
      %dma_start3A_111 = arith.constant 256 : i32
      %dma_start3A_112 = arith.constant 0 : i32
      %dma_start3A_113 = tpu.memref_slice %arg10[%dma_start3A_111, %dma_start3A_112] : memref<512x16xf32, #tpu.memory_space<vmem>> -> memref<128x16xf32, #tpu.memory_space<vmem>>
      %dma_start3A_114 = arith.constant 256 : i32
      %dma_start3A_115 = tpu.memref_slice %arg8[%dma_start3A_114] : memref<512xi32, #tpu.memory_space<vmem>> -> memref<128xi32, #tpu.memory_space<vmem>>
      %dma_start3A_116 = arith.constant 0 : i32
      %dma_start3A_117 = arith.constant 0 : i32
      %dma_start3A_118 = tpu.memref_slice %arg2[%dma_start3A_116, %dma_start3A_117] : memref<50000x16xf32, #tpu.memory_space<hbm>> -> memref<50000x16xf32, #tpu.memory_space<hbm>>
      tpu.enqueue_indirect_dma source(%dma_start3A_118 : memref<50000x16xf32, #tpu.memory_space<hbm>>) target(%dma_start3A_113 : memref<128x16xf32, #tpu.memory_space<vmem>>) offsets(%dma_start3A_115 : memref<128xi32, #tpu.memory_space<vmem>>) semaphore(%arg15 : memref<!tpu.dma_semaphore, #tpu.memory_space<semaphore_mem>>)
      %dma_start3A_119 = arith.constant 256 : i32
      %dma_start3A_120 = arith.constant 0 : i32
      %dma_start3A_121 = tpu.memref_slice %arg11[%dma_start3A_119, %dma_start3A_120] : memref<512x16xf32, #tpu.memory_space<vmem>> -> memref<128x16xf32, #tpu.memory_space<vmem>>
      %dma_start3A_122 = arith.constant 256 : i32
      %dma_start3A_123 = tpu.memref_slice %arg9[%dma_start3A_122] : memref<512xi32, #tpu.memory_space<vmem>> -> memref<128xi32, #tpu.memory_space<vmem>>
      %dma_start3A_124 = arith.constant 0 : i32
      %dma_start3A_125 = arith.constant 0 : i32
      %dma_start3A_126 = tpu.memref_slice %arg2[%dma_start3A_124, %dma_start3A_125] : memref<50000x16xf32, #tpu.memory_space<hbm>> -> memref<50000x16xf32, #tpu.memory_space<hbm>>
      tpu.enqueue_indirect_dma source(%dma_start3A_126 : memref<50000x16xf32, #tpu.memory_space<hbm>>) target(%dma_start3A_121 : memref<128x16xf32, #tpu.memory_space<vmem>>) offsets(%dma_start3A_123 : memref<128xi32, #tpu.memory_space<vmem>>) semaphore(%arg15 : memref<!tpu.dma_semaphore, #tpu.memory_space<semaphore_mem>>)
      %dma_start3A_127 = arith.constant 384 : i32
      %dma_start3A_128 = arith.constant 0 : i32
      %dma_start3A_129 = tpu.memref_slice %arg10[%dma_start3A_127, %dma_start3A_128] : memref<512x16xf32, #tpu.memory_space<vmem>> -> memref<128x16xf32, #tpu.memory_space<vmem>>
      %dma_start3A_130 = arith.constant 384 : i32
      %dma_start3A_131 = tpu.memref_slice %arg8[%dma_start3A_130] : memref<512xi32, #tpu.memory_space<vmem>> -> memref<128xi32, #tpu.memory_space<vmem>>
      %dma_start3A_132 = arith.constant 0 : i32
      %dma_start3A_133 = arith.constant 0 : i32
      %dma_start3A_134 = tpu.memref_slice %arg2[%dma_start3A_132, %dma_start3A_133] : memref<50000x16xf32, #tpu.memory_space<hbm>> -> memref<50000x16xf32, #tpu.memory_space<hbm>>
      tpu.enqueue_indirect_dma source(%dma_start3A_134 : memref<50000x16xf32, #tpu.memory_space<hbm>>) target(%dma_start3A_129 : memref<128x16xf32, #tpu.memory_space<vmem>>) offsets(%dma_start3A_131 : memref<128xi32, #tpu.memory_space<vmem>>) semaphore(%arg15 : memref<!tpu.dma_semaphore, #tpu.memory_space<semaphore_mem>>)
      %dma_start3A_135 = arith.constant 384 : i32
      %dma_start3A_136 = arith.constant 0 : i32
      %dma_start3A_137 = tpu.memref_slice %arg11[%dma_start3A_135, %dma_start3A_136] : memref<512x16xf32, #tpu.memory_space<vmem>> -> memref<128x16xf32, #tpu.memory_space<vmem>>
      %dma_start3A_138 = arith.constant 384 : i32
      %dma_start3A_139 = tpu.memref_slice %arg9[%dma_start3A_138] : memref<512xi32, #tpu.memory_space<vmem>> -> memref<128xi32, #tpu.memory_space<vmem>>
      %dma_start3A_140 = arith.constant 0 : i32
      %dma_start3A_141 = arith.constant 0 : i32
      %dma_start3A_142 = tpu.memref_slice %arg2[%dma_start3A_140, %dma_start3A_141] : memref<50000x16xf32, #tpu.memory_space<hbm>> -> memref<50000x16xf32, #tpu.memory_space<hbm>>
      tpu.enqueue_indirect_dma source(%dma_start3A_142 : memref<50000x16xf32, #tpu.memory_space<hbm>>) target(%dma_start3A_137 : memref<128x16xf32, #tpu.memory_space<vmem>>) offsets(%dma_start3A_139 : memref<128xi32, #tpu.memory_space<vmem>>) semaphore(%arg15 : memref<!tpu.dma_semaphore, #tpu.memory_space<semaphore_mem>>)
      %dma_start3A_143 = tpu.memref_slice %arg5[%mul3A_79] : memref<14400000xf32, #tpu.memory_space<hbm>> -> memref<4608xf32, #tpu.memory_space<hbm>>
      %dma_start3A_144 = tpu.memref_slice %arg5[%mul3A_79] : memref<14400000xf32, #tpu.memory_space<hbm>> -> memref<4608xf32, #tpu.memory_space<hbm>>
      tpu.enqueue_dma source(%dma_start3A_144 : memref<4608xf32, #tpu.memory_space<hbm>>) target(%arg12 : memref<4608xf32, #tpu.memory_space<vmem>>) target_semaphore(%arg15 : memref<!tpu.dma_semaphore, #tpu.memory_space<semaphore_mem>>)
      %dma_wait3A = arith.constant 0 : i32
      %dma_wait3A_145 = arith.constant 0 : i32
      %dma_wait3A_146 = tpu.memref_slice %arg10[%dma_wait3A, %dma_wait3A_145] : memref<512x16xf32, #tpu.memory_space<vmem>> -> memref<128x16xf32, #tpu.memory_space<vmem>>
      %dma_wait3A_147 = arith.constant 0 : i32
      %dma_wait3A_148 = tpu.memref_slice %arg8[%dma_wait3A_147] : memref<512xi32, #tpu.memory_space<vmem>> -> memref<128xi32, #tpu.memory_space<vmem>>
      %dma_wait3A_149 = arith.constant 0 : i32
      %dma_wait3A_150 = arith.constant 0 : i32
      %dma_wait3A_151 = tpu.memref_slice %arg2[%dma_wait3A_149, %dma_wait3A_150] : memref<50000x16xf32, #tpu.memory_space<hbm>> -> memref<50000x16xf32, #tpu.memory_space<hbm>>
      tpu.wait_indirect_dma semaphore(%arg15 : memref<!tpu.dma_semaphore, #tpu.memory_space<semaphore_mem>>) src(%dma_wait3A_151 : memref<50000x16xf32, #tpu.memory_space<hbm>>) dst(%dma_wait3A_146 : memref<128x16xf32, #tpu.memory_space<vmem>>)
      %dma_wait3A_152 = arith.constant 0 : i32
      %dma_wait3A_153 = arith.constant 0 : i32
      %dma_wait3A_154 = tpu.memref_slice %arg11[%dma_wait3A_152, %dma_wait3A_153] : memref<512x16xf32, #tpu.memory_space<vmem>> -> memref<128x16xf32, #tpu.memory_space<vmem>>
      %dma_wait3A_155 = arith.constant 0 : i32
      %dma_wait3A_156 = tpu.memref_slice %arg9[%dma_wait3A_155] : memref<512xi32, #tpu.memory_space<vmem>> -> memref<128xi32, #tpu.memory_space<vmem>>
      %dma_wait3A_157 = arith.constant 0 : i32
      %dma_wait3A_158 = arith.constant 0 : i32
      %dma_wait3A_159 = tpu.memref_slice %arg2[%dma_wait3A_157, %dma_wait3A_158] : memref<50000x16xf32, #tpu.memory_space<hbm>> -> memref<50000x16xf32, #tpu.memory_space<hbm>>
      tpu.wait_indirect_dma semaphore(%arg15 : memref<!tpu.dma_semaphore, #tpu.memory_space<semaphore_mem>>) src(%dma_wait3A_159 : memref<50000x16xf32, #tpu.memory_space<hbm>>) dst(%dma_wait3A_154 : memref<128x16xf32, #tpu.memory_space<vmem>>)
      %dma_wait3A_160 = arith.constant 128 : i32
      %dma_wait3A_161 = arith.constant 0 : i32
      %dma_wait3A_162 = tpu.memref_slice %arg10[%dma_wait3A_160, %dma_wait3A_161] : memref<512x16xf32, #tpu.memory_space<vmem>> -> memref<128x16xf32, #tpu.memory_space<vmem>>
      %dma_wait3A_163 = arith.constant 128 : i32
      %dma_wait3A_164 = tpu.memref_slice %arg8[%dma_wait3A_163] : memref<512xi32, #tpu.memory_space<vmem>> -> memref<128xi32, #tpu.memory_space<vmem>>
      %dma_wait3A_165 = arith.constant 0 : i32
      %dma_wait3A_166 = arith.constant 0 : i32
      %dma_wait3A_167 = tpu.memref_slice %arg2[%dma_wait3A_165, %dma_wait3A_166] : memref<50000x16xf32, #tpu.memory_space<hbm>> -> memref<50000x16xf32, #tpu.memory_space<hbm>>
      tpu.wait_indirect_dma semaphore(%arg15 : memref<!tpu.dma_semaphore, #tpu.memory_space<semaphore_mem>>) src(%dma_wait3A_167 : memref<50000x16xf32, #tpu.memory_space<hbm>>) dst(%dma_wait3A_162 : memref<128x16xf32, #tpu.memory_space<vmem>>)
      %dma_wait3A_168 = arith.constant 128 : i32
      %dma_wait3A_169 = arith.constant 0 : i32
      %dma_wait3A_170 = tpu.memref_slice %arg11[%dma_wait3A_168, %dma_wait3A_169] : memref<512x16xf32, #tpu.memory_space<vmem>> -> memref<128x16xf32, #tpu.memory_space<vmem>>
      %dma_wait3A_171 = arith.constant 128 : i32
      %dma_wait3A_172 = tpu.memref_slice %arg9[%dma_wait3A_171] : memref<512xi32, #tpu.memory_space<vmem>> -> memref<128xi32, #tpu.memory_space<vmem>>
      %dma_wait3A_173 = arith.constant 0 : i32
      %dma_wait3A_174 = arith.constant 0 : i32
      %dma_wait3A_175 = tpu.memref_slice %arg2[%dma_wait3A_173, %dma_wait3A_174] : memref<50000x16xf32, #tpu.memory_space<hbm>> -> memref<50000x16xf32, #tpu.memory_space<hbm>>
      tpu.wait_indirect_dma semaphore(%arg15 : memref<!tpu.dma_semaphore, #tpu.memory_space<semaphore_mem>>) src(%dma_wait3A_175 : memref<50000x16xf32, #tpu.memory_space<hbm>>) dst(%dma_wait3A_170 : memref<128x16xf32, #tpu.memory_space<vmem>>)
      %dma_wait3A_176 = arith.constant 256 : i32
      %dma_wait3A_177 = arith.constant 0 : i32
      %dma_wait3A_178 = tpu.memref_slice %arg10[%dma_wait3A_176, %dma_wait3A_177] : memref<512x16xf32, #tpu.memory_space<vmem>> -> memref<128x16xf32, #tpu.memory_space<vmem>>
      %dma_wait3A_179 = arith.constant 256 : i32
      %dma_wait3A_180 = tpu.memref_slice %arg8[%dma_wait3A_179] : memref<512xi32, #tpu.memory_space<vmem>> -> memref<128xi32, #tpu.memory_space<vmem>>
      %dma_wait3A_181 = arith.constant 0 : i32
      %dma_wait3A_182 = arith.constant 0 : i32
      %dma_wait3A_183 = tpu.memref_slice %arg2[%dma_wait3A_181, %dma_wait3A_182] : memref<50000x16xf32, #tpu.memory_space<hbm>> -> memref<50000x16xf32, #tpu.memory_space<hbm>>
      tpu.wait_indirect_dma semaphore(%arg15 : memref<!tpu.dma_semaphore, #tpu.memory_space<semaphore_mem>>) src(%dma_wait3A_183 : memref<50000x16xf32, #tpu.memory_space<hbm>>) dst(%dma_wait3A_178 : memref<128x16xf32, #tpu.memory_space<vmem>>)
      %dma_wait3A_184 = arith.constant 256 : i32
      %dma_wait3A_185 = arith.constant 0 : i32
      %dma_wait3A_186 = tpu.memref_slice %arg11[%dma_wait3A_184, %dma_wait3A_185] : memref<512x16xf32, #tpu.memory_space<vmem>> -> memref<128x16xf32, #tpu.memory_space<vmem>>
      %dma_wait3A_187 = arith.constant 256 : i32
      %dma_wait3A_188 = tpu.memref_slice %arg9[%dma_wait3A_187] : memref<512xi32, #tpu.memory_space<vmem>> -> memref<128xi32, #tpu.memory_space<vmem>>
      %dma_wait3A_189 = arith.constant 0 : i32
      %dma_wait3A_190 = arith.constant 0 : i32
      %dma_wait3A_191 = tpu.memref_slice %arg2[%dma_wait3A_189, %dma_wait3A_190] : memref<50000x16xf32, #tpu.memory_space<hbm>> -> memref<50000x16xf32, #tpu.memory_space<hbm>>
      tpu.wait_indirect_dma semaphore(%arg15 : memref<!tpu.dma_semaphore, #tpu.memory_space<semaphore_mem>>) src(%dma_wait3A_191 : memref<50000x16xf32, #tpu.memory_space<hbm>>) dst(%dma_wait3A_186 : memref<128x16xf32, #tpu.memory_space<vmem>>)
      %dma_wait3A_192 = arith.constant 384 : i32
      %dma_wait3A_193 = arith.constant 0 : i32
      %dma_wait3A_194 = tpu.memref_slice %arg10[%dma_wait3A_192, %dma_wait3A_193] : memref<512x16xf32, #tpu.memory_space<vmem>> -> memref<128x16xf32, #tpu.memory_space<vmem>>
      %dma_wait3A_195 = arith.constant 384 : i32
      %dma_wait3A_196 = tpu.memref_slice %arg8[%dma_wait3A_195] : memref<512xi32, #tpu.memory_space<vmem>> -> memref<128xi32, #tpu.memory_space<vmem>>
      %dma_wait3A_197 = arith.constant 0 : i32
      %dma_wait3A_198 = arith.constant 0 : i32
      %dma_wait3A_199 = tpu.memref_slice %arg2[%dma_wait3A_197, %dma_wait3A_198] : memref<50000x16xf32, #tpu.memory_space<hbm>> -> memref<50000x16xf32, #tpu.memory_space<hbm>>
      tpu.wait_indirect_dma semaphore(%arg15 : memref<!tpu.dma_semaphore, #tpu.memory_space<semaphore_mem>>) src(%dma_wait3A_199 : memref<50000x16xf32, #tpu.memory_space<hbm>>) dst(%dma_wait3A_194 : memref<128x16xf32, #tpu.memory_space<vmem>>)
      %dma_wait3A_200 = arith.constant 384 : i32
      %dma_wait3A_201 = arith.constant 0 : i32
      %dma_wait3A_202 = tpu.memref_slice %arg11[%dma_wait3A_200, %dma_wait3A_201] : memref<512x16xf32, #tpu.memory_space<vmem>> -> memref<128x16xf32, #tpu.memory_space<vmem>>
      %dma_wait3A_203 = arith.constant 384 : i32
      %dma_wait3A_204 = tpu.memref_slice %arg9[%dma_wait3A_203] : memref<512xi32, #tpu.memory_space<vmem>> -> memref<128xi32, #tpu.memory_space<vmem>>
      %dma_wait3A_205 = arith.constant 0 : i32
      %dma_wait3A_206 = arith.constant 0 : i32
      %dma_wait3A_207 = tpu.memref_slice %arg2[%dma_wait3A_205, %dma_wait3A_206] : memref<50000x16xf32, #tpu.memory_space<hbm>> -> memref<50000x16xf32, #tpu.memory_space<hbm>>
      tpu.wait_indirect_dma semaphore(%arg15 : memref<!tpu.dma_semaphore, #tpu.memory_space<semaphore_mem>>) src(%dma_wait3A_207 : memref<50000x16xf32, #tpu.memory_space<hbm>>) dst(%dma_wait3A_202 : memref<128x16xf32, #tpu.memory_space<vmem>>)
      %dma_wait3A_208 = tpu.memref_slice %arg5[%mul3A_79] : memref<14400000xf32, #tpu.memory_space<hbm>> -> memref<4608xf32, #tpu.memory_space<hbm>>
      %dma_wait3A_209 = tpu.memref_slice %arg5[%mul3A_79] : memref<14400000xf32, #tpu.memory_space<hbm>> -> memref<4608xf32, #tpu.memory_space<hbm>>
      tpu.wait_dma2 semaphore(%arg15 : memref<!tpu.dma_semaphore, #tpu.memory_space<semaphore_mem>>) src(%dma_wait3A_209 : memref<4608xf32, #tpu.memory_space<hbm>>) dst(%arg12 : memref<4608xf32, #tpu.memory_space<vmem>>)
      %scan3A = arith.constant 0 : i32
      %scan3A_210 = arith.constant 32 : i32
      %scan3A_211 = arith.addi %scan3A, %scan3A_210 : i32
      %scan3A_212 = arith.constant 1 : i32
      %scan3A_213 = scf.for %scan3A_215 = %scan3A to %scan3A_211 step %scan3A_212 iter_args(%scan3A_216 = %while3A_72) -> (vector<16xf32>)  : i32 {
        %mul3A_217 = arith.constant 16 : i32
        %mul3A_218 = arith.muli %scan3A_215, %mul3A_217 : i32
        %add3A_219 = vector.broadcast %mul3A_218 : i32 to vector<16xi32>
        %add3A_220 = arith.addi %add3A_219, %iota3A : vector<16xi32>
        %mul3A_221 = arith.constant 144 : i32
        %mul3A_222 = arith.muli %scan3A_215, %mul3A_221 : i32
        %add3A_223 = vector.broadcast %mul3A_222 : i32 to vector<16xi32>
        %add3A_224 = arith.addi %add3A_223, %mul3A_10 : vector<16xi32>
        %gather3A = tpu.vector_load_idx %arg10[%add3A_220, %broadcast_in_dim3A_11] : memref<512x16xf32, #tpu.memory_space<vmem>>[vector<16xi32>, vector<16xi32>], vector<16xf32>,
        %gather3A_225 = tpu.vector_load_idx %arg10[%add3A_220, %broadcast_in_dim3A_13] : memref<512x16xf32, #tpu.memory_space<vmem>>[vector<16xi32>, vector<16xi32>], vector<16xf32>,
        %gather3A_226 = tpu.vector_load_idx %arg10[%add3A_220, %broadcast_in_dim3A_15] : memref<512x16xf32, #tpu.memory_space<vmem>>[vector<16xi32>, vector<16xi32>], vector<16xf32>,
        %gather3A_227 = tpu.vector_load_idx %arg10[%add3A_220, %broadcast_in_dim3A_17] : memref<512x16xf32, #tpu.memory_space<vmem>>[vector<16xi32>, vector<16xi32>], vector<16xf32>,
        %gather3A_228 = tpu.vector_load_idx %arg10[%add3A_220, %broadcast_in_dim3A_19] : memref<512x16xf32, #tpu.memory_space<vmem>>[vector<16xi32>, vector<16xi32>], vector<16xf32>,
        %gather3A_229 = tpu.vector_load_idx %arg10[%add3A_220, %broadcast_in_dim3A_21] : memref<512x16xf32, #tpu.memory_space<vmem>>[vector<16xi32>, vector<16xi32>], vector<16xf32>,
        %gather3A_230 = tpu.vector_load_idx %arg10[%add3A_220, %broadcast_in_dim3A_23] : memref<512x16xf32, #tpu.memory_space<vmem>>[vector<16xi32>, vector<16xi32>], vector<16xf32>,
        %gather3A_231 = tpu.vector_load_idx %arg10[%add3A_220, %broadcast_in_dim3A_25] : memref<512x16xf32, #tpu.memory_space<vmem>>[vector<16xi32>, vector<16xi32>], vector<16xf32>,
        %gather3A_232 = tpu.vector_load_idx %arg10[%add3A_220, %broadcast_in_dim3A_27] : memref<512x16xf32, #tpu.memory_space<vmem>>[vector<16xi32>, vector<16xi32>], vector<16xf32>,
        %add3A_233 = arith.constant 0 : i32
        %add3A_234 = vector.broadcast %add3A_233 : i32 to vector<16xi32>
        %add3A_235 = arith.addi %add3A_224, %add3A_234 : vector<16xi32>
        %gather3A_236 = tpu.vector_load_idx %arg12[%add3A_235] : memref<4608xf32, #tpu.memory_space<vmem>>[vector<16xi32>], vector<16xf32>,
        %add3A_237 = arith.constant 1 : i32
        %add3A_238 = vector.broadcast %add3A_237 : i32 to vector<16xi32>
        %add3A_239 = arith.addi %add3A_224, %add3A_238 : vector<16xi32>
        %gather3A_240 = tpu.vector_load_idx %arg12[%add3A_239] : memref<4608xf32, #tpu.memory_space<vmem>>[vector<16xi32>], vector<16xf32>,
        %add3A_241 = arith.constant 2 : i32
        %add3A_242 = vector.broadcast %add3A_241 : i32 to vector<16xi32>
        %add3A_243 = arith.addi %add3A_224, %add3A_242 : vector<16xi32>
        %gather3A_244 = tpu.vector_load_idx %arg12[%add3A_243] : memref<4608xf32, #tpu.memory_space<vmem>>[vector<16xi32>], vector<16xf32>,
        %add3A_245 = arith.constant 3 : i32
        %add3A_246 = vector.broadcast %add3A_245 : i32 to vector<16xi32>
        %add3A_247 = arith.addi %add3A_224, %add3A_246 : vector<16xi32>
        %gather3A_248 = tpu.vector_load_idx %arg12[%add3A_247] : memref<4608xf32, #tpu.memory_space<vmem>>[vector<16xi32>], vector<16xf32>,
        %add3A_249 = arith.constant 4 : i32
        %add3A_250 = vector.broadcast %add3A_249 : i32 to vector<16xi32>
        %add3A_251 = arith.addi %add3A_224, %add3A_250 : vector<16xi32>
        %gather3A_252 = tpu.vector_load_idx %arg12[%add3A_251] : memref<4608xf32, #tpu.memory_space<vmem>>[vector<16xi32>], vector<16xf32>,
        %add3A_253 = arith.constant 5 : i32
        %add3A_254 = vector.broadcast %add3A_253 : i32 to vector<16xi32>
        %add3A_255 = arith.addi %add3A_224, %add3A_254 : vector<16xi32>
        %gather3A_256 = tpu.vector_load_idx %arg12[%add3A_255] : memref<4608xf32, #tpu.memory_space<vmem>>[vector<16xi32>], vector<16xf32>,
        %add3A_257 = arith.constant 6 : i32
        %add3A_258 = vector.broadcast %add3A_257 : i32 to vector<16xi32>
        %add3A_259 = arith.addi %add3A_224, %add3A_258 : vector<16xi32>
        %gather3A_260 = tpu.vector_load_idx %arg12[%add3A_259] : memref<4608xf32, #tpu.memory_space<vmem>>[vector<16xi32>], vector<16xf32>,
        %add3A_261 = arith.constant 7 : i32
        %add3A_262 = vector.broadcast %add3A_261 : i32 to vector<16xi32>
        %add3A_263 = arith.addi %add3A_224, %add3A_262 : vector<16xi32>
        %gather3A_264 = tpu.vector_load_idx %arg12[%add3A_263] : memref<4608xf32, #tpu.memory_space<vmem>>[vector<16xi32>], vector<16xf32>,
        %add3A_265 = arith.constant 8 : i32
        %add3A_266 = vector.broadcast %add3A_265 : i32 to vector<16xi32>
        %add3A_267 = arith.addi %add3A_224, %add3A_266 : vector<16xi32>
        %gather3A_268 = tpu.vector_load_idx %arg12[%add3A_267] : memref<4608xf32, #tpu.memory_space<vmem>>[vector<16xi32>], vector<16xf32>,
        %gather3A_269 = tpu.vector_load_idx %arg11[%add3A_220, %broadcast_in_dim3A_11] : memref<512x16xf32, #tpu.memory_space<vmem>>[vector<16xi32>, vector<16xi32>], vector<16xf32>,
        %gather3A_270 = tpu.vector_load_idx %arg11[%add3A_220, %broadcast_in_dim3A_13] : memref<512x16xf32, #tpu.memory_space<vmem>>[vector<16xi32>, vector<16xi32>], vector<16xf32>,
        %gather3A_271 = tpu.vector_load_idx %arg11[%add3A_220, %broadcast_in_dim3A_15] : memref<512x16xf32, #tpu.memory_space<vmem>>[vector<16xi32>, vector<16xi32>], vector<16xf32>,
        %gather3A_272 = tpu.vector_load_idx %arg11[%add3A_220, %broadcast_in_dim3A_17] : memref<512x16xf32, #tpu.memory_space<vmem>>[vector<16xi32>, vector<16xi32>], vector<16xf32>,
        %gather3A_273 = tpu.vector_load_idx %arg11[%add3A_220, %broadcast_in_dim3A_19] : memref<512x16xf32, #tpu.memory_space<vmem>>[vector<16xi32>, vector<16xi32>], vector<16xf32>,
        %gather3A_274 = tpu.vector_load_idx %arg11[%add3A_220, %broadcast_in_dim3A_21] : memref<512x16xf32, #tpu.memory_space<vmem>>[vector<16xi32>, vector<16xi32>], vector<16xf32>,
        %gather3A_275 = tpu.vector_load_idx %arg11[%add3A_220, %broadcast_in_dim3A_23] : memref<512x16xf32, #tpu.memory_space<vmem>>[vector<16xi32>, vector<16xi32>], vector<16xf32>,
        %gather3A_276 = tpu.vector_load_idx %arg11[%add3A_220, %broadcast_in_dim3A_25] : memref<512x16xf32, #tpu.memory_space<vmem>>[vector<16xi32>, vector<16xi32>], vector<16xf32>,
        %gather3A_277 = tpu.vector_load_idx %arg11[%add3A_220, %broadcast_in_dim3A_27] : memref<512x16xf32, #tpu.memory_space<vmem>>[vector<16xi32>, vector<16xi32>], vector<16xf32>,
        %mul3A_278 = arith.mulf %gather3A, %gather3A_236 : vector<16xf32>
        %mul3A_279 = arith.mulf %gather3A_225, %gather3A_248 : vector<16xf32>
        %add3A_280 = arith.addf %mul3A_278, %mul3A_279 : vector<16xf32>
        %mul3A_281 = arith.mulf %gather3A_226, %gather3A_260 : vector<16xf32>
        %add3A_282 = arith.addf %add3A_280, %mul3A_281 : vector<16xf32>
        %sub3A_283 = arith.subf %add3A_282, %gather3A_269 : vector<16xf32>
        %mul3A_284 = arith.mulf %sub3A_283, %sub3A_283 : vector<16xf32>
        %mul3A_285 = arith.mulf %gather3A, %gather3A_240 : vector<16xf32>
        %mul3A_286 = arith.mulf %gather3A_225, %gather3A_252 : vector<16xf32>
        %add3A_287 = arith.addf %mul3A_285, %mul3A_286 : vector<16xf32>
        %mul3A_288 = arith.mulf %gather3A_226, %gather3A_264 : vector<16xf32>
        %add3A_289 = arith.addf %add3A_287, %mul3A_288 : vector<16xf32>
        %sub3A_290 = arith.subf %add3A_289, %gather3A_270 : vector<16xf32>
        %mul3A_291 = arith.mulf %sub3A_290, %sub3A_290 : vector<16xf32>
        %add3A_292 = arith.addf %mul3A_284, %mul3A_291 : vector<16xf32>
        %mul3A_293 = arith.mulf %gather3A, %gather3A_244 : vector<16xf32>
        %mul3A_294 = arith.mulf %gather3A_225, %gather3A_256 : vector<16xf32>
        %add3A_295 = arith.addf %mul3A_293, %mul3A_294 : vector<16xf32>
        %mul3A_296 = arith.mulf %gather3A_226, %gather3A_268 : vector<16xf32>
        %add3A_297 = arith.addf %add3A_295, %mul3A_296 : vector<16xf32>
        %sub3A_298 = arith.subf %add3A_297, %gather3A_271 : vector<16xf32>
        %mul3A_299 = arith.mulf %sub3A_298, %sub3A_298 : vector<16xf32>
        %add3A_300 = arith.addf %add3A_292, %mul3A_299 : vector<16xf32>
        %mul3A_301 = arith.mulf %gather3A_227, %gather3A_236 : vector<16xf32>
        %mul3A_302 = arith.mulf %gather3A_228, %gather3A_248 : vector<16xf32>
        %add3A_303 = arith.addf %mul3A_301, %mul3A_302 : vector<16xf32>
        %mul3A_304 = arith.mulf %gather3A_229, %gather3A_260 : vector<16xf32>
        %add3A_305 = arith.addf %add3A_303, %mul3A_304 : vector<16xf32>
        %sub3A_306 = arith.subf %add3A_305, %gather3A_272 : vector<16xf32>
        %mul3A_307 = arith.mulf %sub3A_306, %sub3A_306 : vector<16xf32>
        %add3A_308 = arith.addf %add3A_300, %mul3A_307 : vector<16xf32>
        %mul3A_309 = arith.mulf %gather3A_227, %gather3A_240 : vector<16xf32>
        %mul3A_310 = arith.mulf %gather3A_228, %gather3A_252 : vector<16xf32>
        %add3A_311 = arith.addf %mul3A_309, %mul3A_310 : vector<16xf32>
        %mul3A_312 = arith.mulf %gather3A_229, %gather3A_264 : vector<16xf32>
        %add3A_313 = arith.addf %add3A_311, %mul3A_312 : vector<16xf32>
        %sub3A_314 = arith.subf %add3A_313, %gather3A_273 : vector<16xf32>
        %mul3A_315 = arith.mulf %sub3A_314, %sub3A_314 : vector<16xf32>
        %add3A_316 = arith.addf %add3A_308, %mul3A_315 : vector<16xf32>
        %mul3A_317 = arith.mulf %gather3A_227, %gather3A_244 : vector<16xf32>
        %mul3A_318 = arith.mulf %gather3A_228, %gather3A_256 : vector<16xf32>
        %add3A_319 = arith.addf %mul3A_317, %mul3A_318 : vector<16xf32>
        %mul3A_320 = arith.mulf %gather3A_229, %gather3A_268 : vector<16xf32>
        %add3A_321 = arith.addf %add3A_319, %mul3A_320 : vector<16xf32>
        %sub3A_322 = arith.subf %add3A_321, %gather3A_274 : vector<16xf32>
        %mul3A_323 = arith.mulf %sub3A_322, %sub3A_322 : vector<16xf32>
        %add3A_324 = arith.addf %add3A_316, %mul3A_323 : vector<16xf32>
        %mul3A_325 = arith.mulf %gather3A_230, %gather3A_236 : vector<16xf32>
        %mul3A_326 = arith.mulf %gather3A_231, %gather3A_248 : vector<16xf32>
        %add3A_327 = arith.addf %mul3A_325, %mul3A_326 : vector<16xf32>
        %mul3A_328 = arith.mulf %gather3A_232, %gather3A_260 : vector<16xf32>
        %add3A_329 = arith.addf %add3A_327, %mul3A_328 : vector<16xf32>
        %sub3A_330 = arith.subf %add3A_329, %gather3A_275 : vector<16xf32>
        %mul3A_331 = arith.mulf %sub3A_330, %sub3A_330 : vector<16xf32>
        %add3A_332 = arith.addf %add3A_324, %mul3A_331 : vector<16xf32>
        %mul3A_333 = arith.mulf %gather3A_230, %gather3A_240 : vector<16xf32>
        %mul3A_334 = arith.mulf %gather3A_231, %gather3A_252 : vector<16xf32>
        %add3A_335 = arith.addf %mul3A_333, %mul3A_334 : vector<16xf32>
        %mul3A_336 = arith.mulf %gather3A_232, %gather3A_264 : vector<16xf32>
        %add3A_337 = arith.addf %add3A_335, %mul3A_336 : vector<16xf32>
        %sub3A_338 = arith.subf %add3A_337, %gather3A_276 : vector<16xf32>
        %mul3A_339 = arith.mulf %sub3A_338, %sub3A_338 : vector<16xf32>
        %add3A_340 = arith.addf %add3A_332, %mul3A_339 : vector<16xf32>
        %mul3A_341 = arith.mulf %gather3A_230, %gather3A_244 : vector<16xf32>
        %mul3A_342 = arith.mulf %gather3A_231, %gather3A_256 : vector<16xf32>
        %add3A_343 = arith.addf %mul3A_341, %mul3A_342 : vector<16xf32>
        %mul3A_344 = arith.mulf %gather3A_232, %gather3A_268 : vector<16xf32>
        %add3A_345 = arith.addf %add3A_343, %mul3A_344 : vector<16xf32>
        %sub3A_346 = arith.subf %add3A_345, %gather3A_277 : vector<16xf32>
        %mul3A_347 = arith.mulf %sub3A_346, %sub3A_346 : vector<16xf32>
        %add3A_348 = arith.addf %add3A_340, %mul3A_347 : vector<16xf32>
        %bitcast3A = vector.bitcast %add3A_348 : vector<16xf32> to vector<16xi32>
        %shift_right_logical3A = arith.constant 1 : i32
        %shift_right_logical3A_349 = vector.broadcast %shift_right_logical3A : i32 to vector<16xi32>
        %shift_right_logical3A_350 = arith.shrui %bitcast3A, %shift_right_logical3A_349 : vector<16xi32>
        %sub3A_351 = arith.subi %broadcast_in_dim3A_35, %shift_right_logical3A_350 : vector<16xi32>
        %bitcast3A_352 = vector.bitcast %sub3A_351 : vector<16xi32> to vector<16xf32>
        %mul3A_353 = arith.mulf %broadcast_in_dim3A_29, %add3A_348 : vector<16xf32>
        %mul3A_354 = arith.mulf %mul3A_353, %bitcast3A_352 : vector<16xf32>
        %mul3A_355 = arith.mulf %mul3A_354, %bitcast3A_352 : vector<16xf32>
        %sub3A_356 = arith.subf %broadcast_in_dim3A_31, %mul3A_355 : vector<16xf32>
        %mul3A_357 = arith.mulf %bitcast3A_352, %sub3A_356 : vector<16xf32>
        %mul3A_358 = arith.mulf %mul3A_353, %mul3A_357 : vector<16xf32>
        %mul3A_359 = arith.mulf %mul3A_358, %mul3A_357 : vector<16xf32>
        %sub3A_360 = arith.subf %broadcast_in_dim3A_31, %mul3A_359 : vector<16xf32>
        %mul3A_361 = arith.mulf %mul3A_357, %sub3A_360 : vector<16xf32>
        %mul3A_362 = arith.mulf %mul3A_353, %mul3A_361 : vector<16xf32>
        %mul3A_363 = arith.mulf %mul3A_362, %mul3A_361 : vector<16xf32>
        %sub3A_364 = arith.subf %broadcast_in_dim3A_31, %mul3A_363 : vector<16xf32>
        %mul3A_365 = arith.mulf %mul3A_361, %sub3A_364 : vector<16xf32>
        %mul3A_366 = arith.mulf %add3A_348, %mul3A_365 : vector<16xf32>
        %mul3A_367 = arith.mulf %get3A_3, %mul3A_366 : vector<16xf32>
        %add3A_368 = arith.addf %mul3A_367, %get3A_7 : vector<16xf32>
        %neg3A = arith.constant 0.000000e+00 : f32
        %neg3A_369 = vector.broadcast %neg3A : f32 to vector<16xf32>
        %neg3A_370 = arith.subf %neg3A_369, %add3A_368 : vector<16xf32>
        %exp3A = math.exp %neg3A_370 : vector<16xf32>
        %add3A_371 = arith.addf %broadcast_in_dim3A_33, %exp3A : vector<16xf32>
        %div3A_372 = arith.divf %broadcast_in_dim3A_33, %add3A_371 : vector<16xf32>
        %add3A_373 = arith.addf %scan3A_216, %div3A_372 : vector<16xf32>
        scf.yield %add3A_373 : vector<16xf32>
      }
      %scan3A_214 = arith.constant 32 : i32
      scf.yield %scan3A_213 : vector<16xf32>
    }
    %while3A_68 = arith.constant 1 : i32
    %while3A_69 = scf.for %while3A_71 = %while3A_65 to %while3A_61 step %while3A_68 iter_args(%while3A_72 = %while3A_67) -> (vector<16xf32>)  : i32 {
      %mul3A_73 = arith.constant 32 : i32
      %mul3A_74 = arith.muli %while3A_71, %mul3A_73 : i32
      %add3A_75 = arith.addi %add3A, %mul3A_74 : i32
      %mul3A_76 = arith.constant 512 : i32
      %mul3A_77 = arith.muli %add3A_75, %mul3A_76 : i32
      "tpu.region"() ({
        %run_scoped3A = tpu.sem_alloc : memref<!tpu.dma_semaphore, #tpu.memory_space<semaphore_mem>>
        %dma_start3A_215 = tpu.memref_slice %arg3[%mul3A_77] : memref<1600000xi32, #tpu.memory_space<hbm>> -> memref<512xi32, #tpu.memory_space<hbm>>
        %dma_start3A_216 = tpu.memref_slice %arg3[%mul3A_77] : memref<1600000xi32, #tpu.memory_space<hbm>> -> memref<512xi32, #tpu.memory_space<hbm>>
        tpu.enqueue_dma source(%dma_start3A_216 : memref<512xi32, #tpu.memory_space<hbm>>) target(%arg8 : memref<512xi32, #tpu.memory_space<vmem>>) target_semaphore(%run_scoped3A : memref<!tpu.dma_semaphore, #tpu.memory_space<semaphore_mem>>)
        %dma_wait3A_217 = tpu.memref_slice %arg3[%mul3A_77] : memref<1600000xi32, #tpu.memory_space<hbm>> -> memref<512xi32, #tpu.memory_space<hbm>>
        %dma_wait3A_218 = tpu.memref_slice %arg3[%mul3A_77] : memref<1600000xi32, #tpu.memory_space<hbm>> -> memref<512xi32, #tpu.memory_space<hbm>>
        tpu.wait_dma2 semaphore(%run_scoped3A : memref<!tpu.dma_semaphore, #tpu.memory_space<semaphore_mem>>) src(%dma_wait3A_218 : memref<512xi32, #tpu.memory_space<hbm>>) dst(%arg8 : memref<512xi32, #tpu.memory_space<vmem>>)
        tpu.yield
      }) : () -> ()
      "tpu.region"() ({
        %run_scoped3A = tpu.sem_alloc : memref<!tpu.dma_semaphore, #tpu.memory_space<semaphore_mem>>
        %dma_start3A_215 = tpu.memref_slice %arg4[%mul3A_77] : memref<1600000xi32, #tpu.memory_space<hbm>> -> memref<512xi32, #tpu.memory_space<hbm>>
        %dma_start3A_216 = tpu.memref_slice %arg4[%mul3A_77] : memref<1600000xi32, #tpu.memory_space<hbm>> -> memref<512xi32, #tpu.memory_space<hbm>>
        tpu.enqueue_dma source(%dma_start3A_216 : memref<512xi32, #tpu.memory_space<hbm>>) target(%arg9 : memref<512xi32, #tpu.memory_space<vmem>>) target_semaphore(%run_scoped3A : memref<!tpu.dma_semaphore, #tpu.memory_space<semaphore_mem>>)
        %dma_wait3A_217 = tpu.memref_slice %arg4[%mul3A_77] : memref<1600000xi32, #tpu.memory_space<hbm>> -> memref<512xi32, #tpu.memory_space<hbm>>
        %dma_wait3A_218 = tpu.memref_slice %arg4[%mul3A_77] : memref<1600000xi32, #tpu.memory_space<hbm>> -> memref<512xi32, #tpu.memory_space<hbm>>
        tpu.wait_dma2 semaphore(%run_scoped3A : memref<!tpu.dma_semaphore, #tpu.memory_space<semaphore_mem>>) src(%dma_wait3A_218 : memref<512xi32, #tpu.memory_space<hbm>>) dst(%arg9 : memref<512xi32, #tpu.memory_space<vmem>>)
        tpu.yield
      }) : () -> ()
      %mul3A_78 = arith.constant 9 : i32
      %mul3A_79 = arith.muli %mul3A_77, %mul3A_78 : i32
      %dma_start3A = arith.constant 0 : i32
      %dma_start3A_80 = arith.constant 0 : i32
      %dma_start3A_81 = tpu.memref_slice %arg10[%dma_start3A, %dma_start3A_80] : memref<512x16xf32, #tpu.memory_space<vmem>> -> memref<128x16xf32, #tpu.memory_space<vmem>>
      %dma_start3A_82 = arith.constant 0 : i32
      %dma_start3A_83 = tpu.memref_slice %arg8[%dma_start3A_82] : memref<512xi32, #tpu.memory_space<vmem>> -> memref<128xi32, #tpu.memory_space<vmem>>
      %dma_start3A_84 = arith.constant 0 : i32
      %dma_start3A_85 = arith.constant 0 : i32
      %dma_start3A_86 = tpu.memref_slice %arg2[%dma_start3A_84, %dma_start3A_85] : memref<50000x16xf32, #tpu.memory_space<hbm>> -> memref<50000x16xf32, #tpu.memory_space<hbm>>
      tpu.enqueue_indirect_dma source(%dma_start3A_86 : memref<50000x16xf32, #tpu.memory_space<hbm>>) target(%dma_start3A_81 : memref<128x16xf32, #tpu.memory_space<vmem>>) offsets(%dma_start3A_83 : memref<128xi32, #tpu.memory_space<vmem>>) semaphore(%arg15 : memref<!tpu.dma_semaphore, #tpu.memory_space<semaphore_mem>>)
      %dma_start3A_87 = arith.constant 0 : i32
      %dma_start3A_88 = arith.constant 0 : i32
      %dma_start3A_89 = tpu.memref_slice %arg11[%dma_start3A_87, %dma_start3A_88] : memref<512x16xf32, #tpu.memory_space<vmem>> -> memref<128x16xf32, #tpu.memory_space<vmem>>
      %dma_start3A_90 = arith.constant 0 : i32
      %dma_start3A_91 = tpu.memref_slice %arg9[%dma_start3A_90] : memref<512xi32, #tpu.memory_space<vmem>> -> memref<128xi32, #tpu.memory_space<vmem>>
      %dma_start3A_92 = arith.constant 0 : i32
      %dma_start3A_93 = arith.constant 0 : i32
      %dma_start3A_94 = tpu.memref_slice %arg2[%dma_start3A_92, %dma_start3A_93] : memref<50000x16xf32, #tpu.memory_space<hbm>> -> memref<50000x16xf32, #tpu.memory_space<hbm>>
      tpu.enqueue_indirect_dma source(%dma_start3A_94 : memref<50000x16xf32, #tpu.memory_space<hbm>>) target(%dma_start3A_89 : memref<128x16xf32, #tpu.memory_space<vmem>>) offsets(%dma_start3A_91 : memref<128xi32, #tpu.memory_space<vmem>>) semaphore(%arg15 : memref<!tpu.dma_semaphore, #tpu.memory_space<semaphore_mem>>)
      %dma_start3A_95 = arith.constant 128 : i32
      %dma_start3A_96 = arith.constant 0 : i32
      %dma_start3A_97 = tpu.memref_slice %arg10[%dma_start3A_95, %dma_start3A_96] : memref<512x16xf32, #tpu.memory_space<vmem>> -> memref<128x16xf32, #tpu.memory_space<vmem>>
      %dma_start3A_98 = arith.constant 128 : i32
      %dma_start3A_99 = tpu.memref_slice %arg8[%dma_start3A_98] : memref<512xi32, #tpu.memory_space<vmem>> -> memref<128xi32, #tpu.memory_space<vmem>>
      %dma_start3A_100 = arith.constant 0 : i32
      %dma_start3A_101 = arith.constant 0 : i32
      %dma_start3A_102 = tpu.memref_slice %arg2[%dma_start3A_100, %dma_start3A_101] : memref<50000x16xf32, #tpu.memory_space<hbm>> -> memref<50000x16xf32, #tpu.memory_space<hbm>>
      tpu.enqueue_indirect_dma source(%dma_start3A_102 : memref<50000x16xf32, #tpu.memory_space<hbm>>) target(%dma_start3A_97 : memref<128x16xf32, #tpu.memory_space<vmem>>) offsets(%dma_start3A_99 : memref<128xi32, #tpu.memory_space<vmem>>) semaphore(%arg15 : memref<!tpu.dma_semaphore, #tpu.memory_space<semaphore_mem>>)
      %dma_start3A_103 = arith.constant 128 : i32
      %dma_start3A_104 = arith.constant 0 : i32
      %dma_start3A_105 = tpu.memref_slice %arg11[%dma_start3A_103, %dma_start3A_104] : memref<512x16xf32, #tpu.memory_space<vmem>> -> memref<128x16xf32, #tpu.memory_space<vmem>>
      %dma_start3A_106 = arith.constant 128 : i32
      %dma_start3A_107 = tpu.memref_slice %arg9[%dma_start3A_106] : memref<512xi32, #tpu.memory_space<vmem>> -> memref<128xi32, #tpu.memory_space<vmem>>
      %dma_start3A_108 = arith.constant 0 : i32
      %dma_start3A_109 = arith.constant 0 : i32
      %dma_start3A_110 = tpu.memref_slice %arg2[%dma_start3A_108, %dma_start3A_109] : memref<50000x16xf32, #tpu.memory_space<hbm>> -> memref<50000x16xf32, #tpu.memory_space<hbm>>
      tpu.enqueue_indirect_dma source(%dma_start3A_110 : memref<50000x16xf32, #tpu.memory_space<hbm>>) target(%dma_start3A_105 : memref<128x16xf32, #tpu.memory_space<vmem>>) offsets(%dma_start3A_107 : memref<128xi32, #tpu.memory_space<vmem>>) semaphore(%arg15 : memref<!tpu.dma_semaphore, #tpu.memory_space<semaphore_mem>>)
      %dma_start3A_111 = arith.constant 256 : i32
      %dma_start3A_112 = arith.constant 0 : i32
      %dma_start3A_113 = tpu.memref_slice %arg10[%dma_start3A_111, %dma_start3A_112] : memref<512x16xf32, #tpu.memory_space<vmem>> -> memref<128x16xf32, #tpu.memory_space<vmem>>
      %dma_start3A_114 = arith.constant 256 : i32
      %dma_start3A_115 = tpu.memref_slice %arg8[%dma_start3A_114] : memref<512xi32, #tpu.memory_space<vmem>> -> memref<128xi32, #tpu.memory_space<vmem>>
      %dma_start3A_116 = arith.constant 0 : i32
      %dma_start3A_117 = arith.constant 0 : i32
      %dma_start3A_118 = tpu.memref_slice %arg2[%dma_start3A_116, %dma_start3A_117] : memref<50000x16xf32, #tpu.memory_space<hbm>> -> memref<50000x16xf32, #tpu.memory_space<hbm>>
      tpu.enqueue_indirect_dma source(%dma_start3A_118 : memref<50000x16xf32, #tpu.memory_space<hbm>>) target(%dma_start3A_113 : memref<128x16xf32, #tpu.memory_space<vmem>>) offsets(%dma_start3A_115 : memref<128xi32, #tpu.memory_space<vmem>>) semaphore(%arg15 : memref<!tpu.dma_semaphore, #tpu.memory_space<semaphore_mem>>)
      %dma_start3A_119 = arith.constant 256 : i32
      %dma_start3A_120 = arith.constant 0 : i32
      %dma_start3A_121 = tpu.memref_slice %arg11[%dma_start3A_119, %dma_start3A_120] : memref<512x16xf32, #tpu.memory_space<vmem>> -> memref<128x16xf32, #tpu.memory_space<vmem>>
      %dma_start3A_122 = arith.constant 256 : i32
      %dma_start3A_123 = tpu.memref_slice %arg9[%dma_start3A_122] : memref<512xi32, #tpu.memory_space<vmem>> -> memref<128xi32, #tpu.memory_space<vmem>>
      %dma_start3A_124 = arith.constant 0 : i32
      %dma_start3A_125 = arith.constant 0 : i32
      %dma_start3A_126 = tpu.memref_slice %arg2[%dma_start3A_124, %dma_start3A_125] : memref<50000x16xf32, #tpu.memory_space<hbm>> -> memref<50000x16xf32, #tpu.memory_space<hbm>>
      tpu.enqueue_indirect_dma source(%dma_start3A_126 : memref<50000x16xf32, #tpu.memory_space<hbm>>) target(%dma_start3A_121 : memref<128x16xf32, #tpu.memory_space<vmem>>) offsets(%dma_start3A_123 : memref<128xi32, #tpu.memory_space<vmem>>) semaphore(%arg15 : memref<!tpu.dma_semaphore, #tpu.memory_space<semaphore_mem>>)
      %dma_start3A_127 = arith.constant 384 : i32
      %dma_start3A_128 = arith.constant 0 : i32
      %dma_start3A_129 = tpu.memref_slice %arg10[%dma_start3A_127, %dma_start3A_128] : memref<512x16xf32, #tpu.memory_space<vmem>> -> memref<128x16xf32, #tpu.memory_space<vmem>>
      %dma_start3A_130 = arith.constant 384 : i32
      %dma_start3A_131 = tpu.memref_slice %arg8[%dma_start3A_130] : memref<512xi32, #tpu.memory_space<vmem>> -> memref<128xi32, #tpu.memory_space<vmem>>
      %dma_start3A_132 = arith.constant 0 : i32
      %dma_start3A_133 = arith.constant 0 : i32
      %dma_start3A_134 = tpu.memref_slice %arg2[%dma_start3A_132, %dma_start3A_133] : memref<50000x16xf32, #tpu.memory_space<hbm>> -> memref<50000x16xf32, #tpu.memory_space<hbm>>
      tpu.enqueue_indirect_dma source(%dma_start3A_134 : memref<50000x16xf32, #tpu.memory_space<hbm>>) target(%dma_start3A_129 : memref<128x16xf32, #tpu.memory_space<vmem>>) offsets(%dma_start3A_131 : memref<128xi32, #tpu.memory_space<vmem>>) semaphore(%arg15 : memref<!tpu.dma_semaphore, #tpu.memory_space<semaphore_mem>>)
      %dma_start3A_135 = arith.constant 384 : i32
      %dma_start3A_136 = arith.constant 0 : i32
      %dma_start3A_137 = tpu.memref_slice %arg11[%dma_start3A_135, %dma_start3A_136] : memref<512x16xf32, #tpu.memory_space<vmem>> -> memref<128x16xf32, #tpu.memory_space<vmem>>
      %dma_start3A_138 = arith.constant 384 : i32
      %dma_start3A_139 = tpu.memref_slice %arg9[%dma_start3A_138] : memref<512xi32, #tpu.memory_space<vmem>> -> memref<128xi32, #tpu.memory_space<vmem>>
      %dma_start3A_140 = arith.constant 0 : i32
      %dma_start3A_141 = arith.constant 0 : i32
      %dma_start3A_142 = tpu.memref_slice %arg2[%dma_start3A_140, %dma_start3A_141] : memref<50000x16xf32, #tpu.memory_space<hbm>> -> memref<50000x16xf32, #tpu.memory_space<hbm>>
      tpu.enqueue_indirect_dma source(%dma_start3A_142 : memref<50000x16xf32, #tpu.memory_space<hbm>>) target(%dma_start3A_137 : memref<128x16xf32, #tpu.memory_space<vmem>>) offsets(%dma_start3A_139 : memref<128xi32, #tpu.memory_space<vmem>>) semaphore(%arg15 : memref<!tpu.dma_semaphore, #tpu.memory_space<semaphore_mem>>)
      %dma_start3A_143 = tpu.memref_slice %arg5[%mul3A_79] : memref<14400000xf32, #tpu.memory_space<hbm>> -> memref<4608xf32, #tpu.memory_space<hbm>>
      %dma_start3A_144 = tpu.memref_slice %arg5[%mul3A_79] : memref<14400000xf32, #tpu.memory_space<hbm>> -> memref<4608xf32, #tpu.memory_space<hbm>>
      tpu.enqueue_dma source(%dma_start3A_144 : memref<4608xf32, #tpu.memory_space<hbm>>) target(%arg12 : memref<4608xf32, #tpu.memory_space<vmem>>) target_semaphore(%arg15 : memref<!tpu.dma_semaphore, #tpu.memory_space<semaphore_mem>>)
      %dma_wait3A = arith.constant 0 : i32
      %dma_wait3A_145 = arith.constant 0 : i32
      %dma_wait3A_146 = tpu.memref_slice %arg10[%dma_wait3A, %dma_wait3A_145] : memref<512x16xf32, #tpu.memory_space<vmem>> -> memref<128x16xf32, #tpu.memory_space<vmem>>
      %dma_wait3A_147 = arith.constant 0 : i32
      %dma_wait3A_148 = tpu.memref_slice %arg8[%dma_wait3A_147] : memref<512xi32, #tpu.memory_space<vmem>> -> memref<128xi32, #tpu.memory_space<vmem>>
      %dma_wait3A_149 = arith.constant 0 : i32
      %dma_wait3A_150 = arith.constant 0 : i32
      %dma_wait3A_151 = tpu.memref_slice %arg2[%dma_wait3A_149, %dma_wait3A_150] : memref<50000x16xf32, #tpu.memory_space<hbm>> -> memref<50000x16xf32, #tpu.memory_space<hbm>>
      tpu.wait_indirect_dma semaphore(%arg15 : memref<!tpu.dma_semaphore, #tpu.memory_space<semaphore_mem>>) src(%dma_wait3A_151 : memref<50000x16xf32, #tpu.memory_space<hbm>>) dst(%dma_wait3A_146 : memref<128x16xf32, #tpu.memory_space<vmem>>)
      %dma_wait3A_152 = arith.constant 0 : i32
      %dma_wait3A_153 = arith.constant 0 : i32
      %dma_wait3A_154 = tpu.memref_slice %arg11[%dma_wait3A_152, %dma_wait3A_153] : memref<512x16xf32, #tpu.memory_space<vmem>> -> memref<128x16xf32, #tpu.memory_space<vmem>>
      %dma_wait3A_155 = arith.constant 0 : i32
      %dma_wait3A_156 = tpu.memref_slice %arg9[%dma_wait3A_155] : memref<512xi32, #tpu.memory_space<vmem>> -> memref<128xi32, #tpu.memory_space<vmem>>
      %dma_wait3A_157 = arith.constant 0 : i32
      %dma_wait3A_158 = arith.constant 0 : i32
      %dma_wait3A_159 = tpu.memref_slice %arg2[%dma_wait3A_157, %dma_wait3A_158] : memref<50000x16xf32, #tpu.memory_space<hbm>> -> memref<50000x16xf32, #tpu.memory_space<hbm>>
      tpu.wait_indirect_dma semaphore(%arg15 : memref<!tpu.dma_semaphore, #tpu.memory_space<semaphore_mem>>) src(%dma_wait3A_159 : memref<50000x16xf32, #tpu.memory_space<hbm>>) dst(%dma_wait3A_154 : memref<128x16xf32, #tpu.memory_space<vmem>>)
      %dma_wait3A_160 = arith.constant 128 : i32
      %dma_wait3A_161 = arith.constant 0 : i32
      %dma_wait3A_162 = tpu.memref_slice %arg10[%dma_wait3A_160, %dma_wait3A_161] : memref<512x16xf32, #tpu.memory_space<vmem>> -> memref<128x16xf32, #tpu.memory_space<vmem>>
      %dma_wait3A_163 = arith.constant 128 : i32
      %dma_wait3A_164 = tpu.memref_slice %arg8[%dma_wait3A_163] : memref<512xi32, #tpu.memory_space<vmem>> -> memref<128xi32, #tpu.memory_space<vmem>>
      %dma_wait3A_165 = arith.constant 0 : i32
      %dma_wait3A_166 = arith.constant 0 : i32
      %dma_wait3A_167 = tpu.memref_slice %arg2[%dma_wait3A_165, %dma_wait3A_166] : memref<50000x16xf32, #tpu.memory_space<hbm>> -> memref<50000x16xf32, #tpu.memory_space<hbm>>
      tpu.wait_indirect_dma semaphore(%arg15 : memref<!tpu.dma_semaphore, #tpu.memory_space<semaphore_mem>>) src(%dma_wait3A_167 : memref<50000x16xf32, #tpu.memory_space<hbm>>) dst(%dma_wait3A_162 : memref<128x16xf32, #tpu.memory_space<vmem>>)
      %dma_wait3A_168 = arith.constant 128 : i32
      %dma_wait3A_169 = arith.constant 0 : i32
      %dma_wait3A_170 = tpu.memref_slice %arg11[%dma_wait3A_168, %dma_wait3A_169] : memref<512x16xf32, #tpu.memory_space<vmem>> -> memref<128x16xf32, #tpu.memory_space<vmem>>
      %dma_wait3A_171 = arith.constant 128 : i32
      %dma_wait3A_172 = tpu.memref_slice %arg9[%dma_wait3A_171] : memref<512xi32, #tpu.memory_space<vmem>> -> memref<128xi32, #tpu.memory_space<vmem>>
      %dma_wait3A_173 = arith.constant 0 : i32
      %dma_wait3A_174 = arith.constant 0 : i32
      %dma_wait3A_175 = tpu.memref_slice %arg2[%dma_wait3A_173, %dma_wait3A_174] : memref<50000x16xf32, #tpu.memory_space<hbm>> -> memref<50000x16xf32, #tpu.memory_space<hbm>>
      tpu.wait_indirect_dma semaphore(%arg15 : memref<!tpu.dma_semaphore, #tpu.memory_space<semaphore_mem>>) src(%dma_wait3A_175 : memref<50000x16xf32, #tpu.memory_space<hbm>>) dst(%dma_wait3A_170 : memref<128x16xf32, #tpu.memory_space<vmem>>)
      %dma_wait3A_176 = arith.constant 256 : i32
      %dma_wait3A_177 = arith.constant 0 : i32
      %dma_wait3A_178 = tpu.memref_slice %arg10[%dma_wait3A_176, %dma_wait3A_177] : memref<512x16xf32, #tpu.memory_space<vmem>> -> memref<128x16xf32, #tpu.memory_space<vmem>>
      %dma_wait3A_179 = arith.constant 256 : i32
      %dma_wait3A_180 = tpu.memref_slice %arg8[%dma_wait3A_179] : memref<512xi32, #tpu.memory_space<vmem>> -> memref<128xi32, #tpu.memory_space<vmem>>
      %dma_wait3A_181 = arith.constant 0 : i32
      %dma_wait3A_182 = arith.constant 0 : i32
      %dma_wait3A_183 = tpu.memref_slice %arg2[%dma_wait3A_181, %dma_wait3A_182] : memref<50000x16xf32, #tpu.memory_space<hbm>> -> memref<50000x16xf32, #tpu.memory_space<hbm>>
      tpu.wait_indirect_dma semaphore(%arg15 : memref<!tpu.dma_semaphore, #tpu.memory_space<semaphore_mem>>) src(%dma_wait3A_183 : memref<50000x16xf32, #tpu.memory_space<hbm>>) dst(%dma_wait3A_178 : memref<128x16xf32, #tpu.memory_space<vmem>>)
      %dma_wait3A_184 = arith.constant 256 : i32
      %dma_wait3A_185 = arith.constant 0 : i32
      %dma_wait3A_186 = tpu.memref_slice %arg11[%dma_wait3A_184, %dma_wait3A_185] : memref<512x16xf32, #tpu.memory_space<vmem>> -> memref<128x16xf32, #tpu.memory_space<vmem>>
      %dma_wait3A_187 = arith.constant 256 : i32
      %dma_wait3A_188 = tpu.memref_slice %arg9[%dma_wait3A_187] : memref<512xi32, #tpu.memory_space<vmem>> -> memref<128xi32, #tpu.memory_space<vmem>>
      %dma_wait3A_189 = arith.constant 0 : i32
      %dma_wait3A_190 = arith.constant 0 : i32
      %dma_wait3A_191 = tpu.memref_slice %arg2[%dma_wait3A_189, %dma_wait3A_190] : memref<50000x16xf32, #tpu.memory_space<hbm>> -> memref<50000x16xf32, #tpu.memory_space<hbm>>
      tpu.wait_indirect_dma semaphore(%arg15 : memref<!tpu.dma_semaphore, #tpu.memory_space<semaphore_mem>>) src(%dma_wait3A_191 : memref<50000x16xf32, #tpu.memory_space<hbm>>) dst(%dma_wait3A_186 : memref<128x16xf32, #tpu.memory_space<vmem>>)
      %dma_wait3A_192 = arith.constant 384 : i32
      %dma_wait3A_193 = arith.constant 0 : i32
      %dma_wait3A_194 = tpu.memref_slice %arg10[%dma_wait3A_192, %dma_wait3A_193] : memref<512x16xf32, #tpu.memory_space<vmem>> -> memref<128x16xf32, #tpu.memory_space<vmem>>
      %dma_wait3A_195 = arith.constant 384 : i32
      %dma_wait3A_196 = tpu.memref_slice %arg8[%dma_wait3A_195] : memref<512xi32, #tpu.memory_space<vmem>> -> memref<128xi32, #tpu.memory_space<vmem>>
      %dma_wait3A_197 = arith.constant 0 : i32
      %dma_wait3A_198 = arith.constant 0 : i32
      %dma_wait3A_199 = tpu.memref_slice %arg2[%dma_wait3A_197, %dma_wait3A_198] : memref<50000x16xf32, #tpu.memory_space<hbm>> -> memref<50000x16xf32, #tpu.memory_space<hbm>>
      tpu.wait_indirect_dma semaphore(%arg15 : memref<!tpu.dma_semaphore, #tpu.memory_space<semaphore_mem>>) src(%dma_wait3A_199 : memref<50000x16xf32, #tpu.memory_space<hbm>>) dst(%dma_wait3A_194 : memref<128x16xf32, #tpu.memory_space<vmem>>)
      %dma_wait3A_200 = arith.constant 384 : i32
      %dma_wait3A_201 = arith.constant 0 : i32
      %dma_wait3A_202 = tpu.memref_slice %arg11[%dma_wait3A_200, %dma_wait3A_201] : memref<512x16xf32, #tpu.memory_space<vmem>> -> memref<128x16xf32, #tpu.memory_space<vmem>>
      %dma_wait3A_203 = arith.constant 384 : i32
      %dma_wait3A_204 = tpu.memref_slice %arg9[%dma_wait3A_203] : memref<512xi32, #tpu.memory_space<vmem>> -> memref<128xi32, #tpu.memory_space<vmem>>
      %dma_wait3A_205 = arith.constant 0 : i32
      %dma_wait3A_206 = arith.constant 0 : i32
      %dma_wait3A_207 = tpu.memref_slice %arg2[%dma_wait3A_205, %dma_wait3A_206] : memref<50000x16xf32, #tpu.memory_space<hbm>> -> memref<50000x16xf32, #tpu.memory_space<hbm>>
      tpu.wait_indirect_dma semaphore(%arg15 : memref<!tpu.dma_semaphore, #tpu.memory_space<semaphore_mem>>) src(%dma_wait3A_207 : memref<50000x16xf32, #tpu.memory_space<hbm>>) dst(%dma_wait3A_202 : memref<128x16xf32, #tpu.memory_space<vmem>>)
      %dma_wait3A_208 = tpu.memref_slice %arg5[%mul3A_79] : memref<14400000xf32, #tpu.memory_space<hbm>> -> memref<4608xf32, #tpu.memory_space<hbm>>
      %dma_wait3A_209 = tpu.memref_slice %arg5[%mul3A_79] : memref<14400000xf32, #tpu.memory_space<hbm>> -> memref<4608xf32, #tpu.memory_space<hbm>>
      tpu.wait_dma2 semaphore(%arg15 : memref<!tpu.dma_semaphore, #tpu.memory_space<semaphore_mem>>) src(%dma_wait3A_209 : memref<4608xf32, #tpu.memory_space<hbm>>) dst(%arg12 : memref<4608xf32, #tpu.memory_space<vmem>>)
      %scan3A = arith.constant 0 : i32
      %scan3A_210 = arith.constant 32 : i32
      %scan3A_211 = arith.addi %scan3A, %scan3A_210 : i32
      %scan3A_212 = arith.constant 1 : i32
      %scan3A_213 = scf.for %scan3A_215 = %scan3A to %scan3A_211 step %scan3A_212 iter_args(%scan3A_216 = %while3A_72) -> (vector<16xf32>)  : i32 {
        %mul3A_217 = arith.constant 16 : i32
        %mul3A_218 = arith.muli %scan3A_215, %mul3A_217 : i32
        %add3A_219 = vector.broadcast %mul3A_218 : i32 to vector<16xi32>
        %add3A_220 = arith.addi %add3A_219, %iota3A : vector<16xi32>
        %mul3A_221 = arith.constant 144 : i32
        %mul3A_222 = arith.muli %scan3A_215, %mul3A_221 : i32
        %add3A_223 = vector.broadcast %mul3A_222 : i32 to vector<16xi32>
        %add3A_224 = arith.addi %add3A_223, %mul3A_10 : vector<16xi32>
        %gather3A = tpu.vector_load_idx %arg10[%add3A_220, %broadcast_in_dim3A_11] : memref<512x16xf32, #tpu.memory_space<vmem>>[vector<16xi32>, vector<16xi32>], vector<16xf32>,
        %gather3A_225 = tpu.vector_load_idx %arg10[%add3A_220, %broadcast_in_dim3A_13] : memref<512x16xf32, #tpu.memory_space<vmem>>[vector<16xi32>, vector<16xi32>], vector<16xf32>,
        %gather3A_226 = tpu.vector_load_idx %arg10[%add3A_220, %broadcast_in_dim3A_15] : memref<512x16xf32, #tpu.memory_space<vmem>>[vector<16xi32>, vector<16xi32>], vector<16xf32>,
        %gather3A_227 = tpu.vector_load_idx %arg10[%add3A_220, %broadcast_in_dim3A_17] : memref<512x16xf32, #tpu.memory_space<vmem>>[vector<16xi32>, vector<16xi32>], vector<16xf32>,
        %gather3A_228 = tpu.vector_load_idx %arg10[%add3A_220, %broadcast_in_dim3A_19] : memref<512x16xf32, #tpu.memory_space<vmem>>[vector<16xi32>, vector<16xi32>], vector<16xf32>,
        %gather3A_229 = tpu.vector_load_idx %arg10[%add3A_220, %broadcast_in_dim3A_21] : memref<512x16xf32, #tpu.memory_space<vmem>>[vector<16xi32>, vector<16xi32>], vector<16xf32>,
        %gather3A_230 = tpu.vector_load_idx %arg10[%add3A_220, %broadcast_in_dim3A_23] : memref<512x16xf32, #tpu.memory_space<vmem>>[vector<16xi32>, vector<16xi32>], vector<16xf32>,
        %gather3A_231 = tpu.vector_load_idx %arg10[%add3A_220, %broadcast_in_dim3A_25] : memref<512x16xf32, #tpu.memory_space<vmem>>[vector<16xi32>, vector<16xi32>], vector<16xf32>,
        %gather3A_232 = tpu.vector_load_idx %arg10[%add3A_220, %broadcast_in_dim3A_27] : memref<512x16xf32, #tpu.memory_space<vmem>>[vector<16xi32>, vector<16xi32>], vector<16xf32>,
        %add3A_233 = arith.constant 0 : i32
        %add3A_234 = vector.broadcast %add3A_233 : i32 to vector<16xi32>
        %add3A_235 = arith.addi %add3A_224, %add3A_234 : vector<16xi32>
        %gather3A_236 = tpu.vector_load_idx %arg12[%add3A_235] : memref<4608xf32, #tpu.memory_space<vmem>>[vector<16xi32>], vector<16xf32>,
        %add3A_237 = arith.constant 1 : i32
        %add3A_238 = vector.broadcast %add3A_237 : i32 to vector<16xi32>
        %add3A_239 = arith.addi %add3A_224, %add3A_238 : vector<16xi32>
        %gather3A_240 = tpu.vector_load_idx %arg12[%add3A_239] : memref<4608xf32, #tpu.memory_space<vmem>>[vector<16xi32>], vector<16xf32>,
        %add3A_241 = arith.constant 2 : i32
        %add3A_242 = vector.broadcast %add3A_241 : i32 to vector<16xi32>
        %add3A_243 = arith.addi %add3A_224, %add3A_242 : vector<16xi32>
        %gather3A_244 = tpu.vector_load_idx %arg12[%add3A_243] : memref<4608xf32, #tpu.memory_space<vmem>>[vector<16xi32>], vector<16xf32>,
        %add3A_245 = arith.constant 3 : i32
        %add3A_246 = vector.broadcast %add3A_245 : i32 to vector<16xi32>
        %add3A_247 = arith.addi %add3A_224, %add3A_246 : vector<16xi32>
        %gather3A_248 = tpu.vector_load_idx %arg12[%add3A_247] : memref<4608xf32, #tpu.memory_space<vmem>>[vector<16xi32>], vector<16xf32>,
        %add3A_249 = arith.constant 4 : i32
        %add3A_250 = vector.broadcast %add3A_249 : i32 to vector<16xi32>
        %add3A_251 = arith.addi %add3A_224, %add3A_250 : vector<16xi32>
        %gather3A_252 = tpu.vector_load_idx %arg12[%add3A_251] : memref<4608xf32, #tpu.memory_space<vmem>>[vector<16xi32>], vector<16xf32>,
        %add3A_253 = arith.constant 5 : i32
        %add3A_254 = vector.broadcast %add3A_253 : i32 to vector<16xi32>
        %add3A_255 = arith.addi %add3A_224, %add3A_254 : vector<16xi32>
        %gather3A_256 = tpu.vector_load_idx %arg12[%add3A_255] : memref<4608xf32, #tpu.memory_space<vmem>>[vector<16xi32>], vector<16xf32>,
        %add3A_257 = arith.constant 6 : i32
        %add3A_258 = vector.broadcast %add3A_257 : i32 to vector<16xi32>
        %add3A_259 = arith.addi %add3A_224, %add3A_258 : vector<16xi32>
        %gather3A_260 = tpu.vector_load_idx %arg12[%add3A_259] : memref<4608xf32, #tpu.memory_space<vmem>>[vector<16xi32>], vector<16xf32>,
        %add3A_261 = arith.constant 7 : i32
        %add3A_262 = vector.broadcast %add3A_261 : i32 to vector<16xi32>
        %add3A_263 = arith.addi %add3A_224, %add3A_262 : vector<16xi32>
        %gather3A_264 = tpu.vector_load_idx %arg12[%add3A_263] : memref<4608xf32, #tpu.memory_space<vmem>>[vector<16xi32>], vector<16xf32>,
        %add3A_265 = arith.constant 8 : i32
        %add3A_266 = vector.broadcast %add3A_265 : i32 to vector<16xi32>
        %add3A_267 = arith.addi %add3A_224, %add3A_266 : vector<16xi32>
        %gather3A_268 = tpu.vector_load_idx %arg12[%add3A_267] : memref<4608xf32, #tpu.memory_space<vmem>>[vector<16xi32>], vector<16xf32>,
        %gather3A_269 = tpu.vector_load_idx %arg11[%add3A_220, %broadcast_in_dim3A_11] : memref<512x16xf32, #tpu.memory_space<vmem>>[vector<16xi32>, vector<16xi32>], vector<16xf32>,
        %gather3A_270 = tpu.vector_load_idx %arg11[%add3A_220, %broadcast_in_dim3A_13] : memref<512x16xf32, #tpu.memory_space<vmem>>[vector<16xi32>, vector<16xi32>], vector<16xf32>,
        %gather3A_271 = tpu.vector_load_idx %arg11[%add3A_220, %broadcast_in_dim3A_15] : memref<512x16xf32, #tpu.memory_space<vmem>>[vector<16xi32>, vector<16xi32>], vector<16xf32>,
        %gather3A_272 = tpu.vector_load_idx %arg11[%add3A_220, %broadcast_in_dim3A_17] : memref<512x16xf32, #tpu.memory_space<vmem>>[vector<16xi32>, vector<16xi32>], vector<16xf32>,
        %gather3A_273 = tpu.vector_load_idx %arg11[%add3A_220, %broadcast_in_dim3A_19] : memref<512x16xf32, #tpu.memory_space<vmem>>[vector<16xi32>, vector<16xi32>], vector<16xf32>,
        %gather3A_274 = tpu.vector_load_idx %arg11[%add3A_220, %broadcast_in_dim3A_21] : memref<512x16xf32, #tpu.memory_space<vmem>>[vector<16xi32>, vector<16xi32>], vector<16xf32>,
        %gather3A_275 = tpu.vector_load_idx %arg11[%add3A_220, %broadcast_in_dim3A_23] : memref<512x16xf32, #tpu.memory_space<vmem>>[vector<16xi32>, vector<16xi32>], vector<16xf32>,
        %gather3A_276 = tpu.vector_load_idx %arg11[%add3A_220, %broadcast_in_dim3A_25] : memref<512x16xf32, #tpu.memory_space<vmem>>[vector<16xi32>, vector<16xi32>], vector<16xf32>,
        %gather3A_277 = tpu.vector_load_idx %arg11[%add3A_220, %broadcast_in_dim3A_27] : memref<512x16xf32, #tpu.memory_space<vmem>>[vector<16xi32>, vector<16xi32>], vector<16xf32>,
        %mul3A_278 = arith.mulf %gather3A, %gather3A_236 : vector<16xf32>
        %mul3A_279 = arith.mulf %gather3A_225, %gather3A_248 : vector<16xf32>
        %add3A_280 = arith.addf %mul3A_278, %mul3A_279 : vector<16xf32>
        %mul3A_281 = arith.mulf %gather3A_226, %gather3A_260 : vector<16xf32>
        %add3A_282 = arith.addf %add3A_280, %mul3A_281 : vector<16xf32>
        %sub3A_283 = arith.subf %add3A_282, %gather3A_269 : vector<16xf32>
        %mul3A_284 = arith.mulf %sub3A_283, %sub3A_283 : vector<16xf32>
        %mul3A_285 = arith.mulf %gather3A, %gather3A_240 : vector<16xf32>
        %mul3A_286 = arith.mulf %gather3A_225, %gather3A_252 : vector<16xf32>
        %add3A_287 = arith.addf %mul3A_285, %mul3A_286 : vector<16xf32>
        %mul3A_288 = arith.mulf %gather3A_226, %gather3A_264 : vector<16xf32>
        %add3A_289 = arith.addf %add3A_287, %mul3A_288 : vector<16xf32>
        %sub3A_290 = arith.subf %add3A_289, %gather3A_270 : vector<16xf32>
        %mul3A_291 = arith.mulf %sub3A_290, %sub3A_290 : vector<16xf32>
        %add3A_292 = arith.addf %mul3A_284, %mul3A_291 : vector<16xf32>
        %mul3A_293 = arith.mulf %gather3A, %gather3A_244 : vector<16xf32>
        %mul3A_294 = arith.mulf %gather3A_225, %gather3A_256 : vector<16xf32>
        %add3A_295 = arith.addf %mul3A_293, %mul3A_294 : vector<16xf32>
        %mul3A_296 = arith.mulf %gather3A_226, %gather3A_268 : vector<16xf32>
        %add3A_297 = arith.addf %add3A_295, %mul3A_296 : vector<16xf32>
        %sub3A_298 = arith.subf %add3A_297, %gather3A_271 : vector<16xf32>
        %mul3A_299 = arith.mulf %sub3A_298, %sub3A_298 : vector<16xf32>
        %add3A_300 = arith.addf %add3A_292, %mul3A_299 : vector<16xf32>
        %mul3A_301 = arith.mulf %gather3A_227, %gather3A_236 : vector<16xf32>
        %mul3A_302 = arith.mulf %gather3A_228, %gather3A_248 : vector<16xf32>
        %add3A_303 = arith.addf %mul3A_301, %mul3A_302 : vector<16xf32>
        %mul3A_304 = arith.mulf %gather3A_229, %gather3A_260 : vector<16xf32>
        %add3A_305 = arith.addf %add3A_303, %mul3A_304 : vector<16xf32>
        %sub3A_306 = arith.subf %add3A_305, %gather3A_272 : vector<16xf32>
        %mul3A_307 = arith.mulf %sub3A_306, %sub3A_306 : vector<16xf32>
        %add3A_308 = arith.addf %add3A_300, %mul3A_307 : vector<16xf32>
        %mul3A_309 = arith.mulf %gather3A_227, %gather3A_240 : vector<16xf32>
        %mul3A_310 = arith.mulf %gather3A_228, %gather3A_252 : vector<16xf32>
        %add3A_311 = arith.addf %mul3A_309, %mul3A_310 : vector<16xf32>
        %mul3A_312 = arith.mulf %gather3A_229, %gather3A_264 : vector<16xf32>
        %add3A_313 = arith.addf %add3A_311, %mul3A_312 : vector<16xf32>
        %sub3A_314 = arith.subf %add3A_313, %gather3A_273 : vector<16xf32>
        %mul3A_315 = arith.mulf %sub3A_314, %sub3A_314 : vector<16xf32>
        %add3A_316 = arith.addf %add3A_308, %mul3A_315 : vector<16xf32>
        %mul3A_317 = arith.mulf %gather3A_227, %gather3A_244 : vector<16xf32>
        %mul3A_318 = arith.mulf %gather3A_228, %gather3A_256 : vector<16xf32>
        %add3A_319 = arith.addf %mul3A_317, %mul3A_318 : vector<16xf32>
        %mul3A_320 = arith.mulf %gather3A_229, %gather3A_268 : vector<16xf32>
        %add3A_321 = arith.addf %add3A_319, %mul3A_320 : vector<16xf32>
        %sub3A_322 = arith.subf %add3A_321, %gather3A_274 : vector<16xf32>
        %mul3A_323 = arith.mulf %sub3A_322, %sub3A_322 : vector<16xf32>
        %add3A_324 = arith.addf %add3A_316, %mul3A_323 : vector<16xf32>
        %mul3A_325 = arith.mulf %gather3A_230, %gather3A_236 : vector<16xf32>
        %mul3A_326 = arith.mulf %gather3A_231, %gather3A_248 : vector<16xf32>
        %add3A_327 = arith.addf %mul3A_325, %mul3A_326 : vector<16xf32>
        %mul3A_328 = arith.mulf %gather3A_232, %gather3A_260 : vector<16xf32>
        %add3A_329 = arith.addf %add3A_327, %mul3A_328 : vector<16xf32>
        %sub3A_330 = arith.subf %add3A_329, %gather3A_275 : vector<16xf32>
        %mul3A_331 = arith.mulf %sub3A_330, %sub3A_330 : vector<16xf32>
        %add3A_332 = arith.addf %add3A_324, %mul3A_331 : vector<16xf32>
        %mul3A_333 = arith.mulf %gather3A_230, %gather3A_240 : vector<16xf32>
        %mul3A_334 = arith.mulf %gather3A_231, %gather3A_252 : vector<16xf32>
        %add3A_335 = arith.addf %mul3A_333, %mul3A_334 : vector<16xf32>
        %mul3A_336 = arith.mulf %gather3A_232, %gather3A_264 : vector<16xf32>
        %add3A_337 = arith.addf %add3A_335, %mul3A_336 : vector<16xf32>
        %sub3A_338 = arith.subf %add3A_337, %gather3A_276 : vector<16xf32>
        %mul3A_339 = arith.mulf %sub3A_338, %sub3A_338 : vector<16xf32>
        %add3A_340 = arith.addf %add3A_332, %mul3A_339 : vector<16xf32>
        %mul3A_341 = arith.mulf %gather3A_230, %gather3A_244 : vector<16xf32>
        %mul3A_342 = arith.mulf %gather3A_231, %gather3A_256 : vector<16xf32>
        %add3A_343 = arith.addf %mul3A_341, %mul3A_342 : vector<16xf32>
        %mul3A_344 = arith.mulf %gather3A_232, %gather3A_268 : vector<16xf32>
        %add3A_345 = arith.addf %add3A_343, %mul3A_344 : vector<16xf32>
        %sub3A_346 = arith.subf %add3A_345, %gather3A_277 : vector<16xf32>
        %mul3A_347 = arith.mulf %sub3A_346, %sub3A_346 : vector<16xf32>
        %add3A_348 = arith.addf %add3A_340, %mul3A_347 : vector<16xf32>
        %bitcast3A = vector.bitcast %add3A_348 : vector<16xf32> to vector<16xi32>
        %shift_right_logical3A = arith.constant 1 : i32
        %shift_right_logical3A_349 = vector.broadcast %shift_right_logical3A : i32 to vector<16xi32>
        %shift_right_logical3A_350 = arith.shrui %bitcast3A, %shift_right_logical3A_349 : vector<16xi32>
        %sub3A_351 = arith.subi %broadcast_in_dim3A_35, %shift_right_logical3A_350 : vector<16xi32>
        %bitcast3A_352 = vector.bitcast %sub3A_351 : vector<16xi32> to vector<16xf32>
        %mul3A_353 = arith.mulf %broadcast_in_dim3A_29, %add3A_348 : vector<16xf32>
        %mul3A_354 = arith.mulf %mul3A_353, %bitcast3A_352 : vector<16xf32>
        %mul3A_355 = arith.mulf %mul3A_354, %bitcast3A_352 : vector<16xf32>
        %sub3A_356 = arith.subf %broadcast_in_dim3A_31, %mul3A_355 : vector<16xf32>
        %mul3A_357 = arith.mulf %bitcast3A_352, %sub3A_356 : vector<16xf32>
        %mul3A_358 = arith.mulf %mul3A_353, %mul3A_357 : vector<16xf32>
        %mul3A_359 = arith.mulf %mul3A_358, %mul3A_357 : vector<16xf32>
        %sub3A_360 = arith.subf %broadcast_in_dim3A_31, %mul3A_359 : vector<16xf32>
        %mul3A_361 = arith.mulf %mul3A_357, %sub3A_360 : vector<16xf32>
        %mul3A_362 = arith.mulf %mul3A_353, %mul3A_361 : vector<16xf32>
        %mul3A_363 = arith.mulf %mul3A_362, %mul3A_361 : vector<16xf32>
        %sub3A_364 = arith.subf %broadcast_in_dim3A_31, %mul3A_363 : vector<16xf32>
        %mul3A_365 = arith.mulf %mul3A_361, %sub3A_364 : vector<16xf32>
        %mul3A_366 = arith.mulf %add3A_348, %mul3A_365 : vector<16xf32>
        %mul3A_367 = arith.mulf %get3A_3, %mul3A_366 : vector<16xf32>
        %add3A_368 = arith.addf %mul3A_367, %get3A_7 : vector<16xf32>
        %neg3A = arith.constant 0.000000e+00 : f32
        %neg3A_369 = vector.broadcast %neg3A : f32 to vector<16xf32>
        %neg3A_370 = arith.subf %neg3A_369, %add3A_368 : vector<16xf32>
        %exp3A = math.exp %neg3A_370 : vector<16xf32>
        %add3A_371 = arith.addf %broadcast_in_dim3A_33, %exp3A : vector<16xf32>
        %div3A_372 = arith.divf %broadcast_in_dim3A_33, %add3A_371 : vector<16xf32>
        %add3A_373 = arith.addf %scan3A_216, %div3A_372 : vector<16xf32>
        scf.yield %add3A_373 : vector<16xf32>
      }
      %scan3A_214 = arith.constant 32 : i32
      scf.yield %scan3A_213 : vector<16xf32>
    }
    %swap3A = arith.constant 0 : index
    %swap3A_70 = tpu.vector_load %arg14[%swap3A] {strides = array<i32>} : memref<16xf32, #tpu.memory_space<vmem>>, vector<16xf32>,
    tpu.vector_store %arg14[%swap3A], %while3A_69 {strides = array<i32>} : memref<16xf32, #tpu.memory_space<vmem>>, vector<16xf32>,
    "tpu.region"() ({
      %run_scoped3A = tpu.sem_alloc : memref<!tpu.dma_semaphore, #tpu.memory_space<semaphore_mem>>
      %dma_start3A = arith.constant 0 : i32
      %dma_start3A_71 = tpu.memref_slice %arg7[%add3A, %dma_start3A] : memref<32x16xf32, #tpu.memory_space<hbm>> -> memref<1x16xf32, #tpu.memory_space<hbm>>
      %dma_start3A_72 = tpu.memref_squeeze %dma_start3A_71 : memref<1x16xf32, #tpu.memory_space<hbm>> -> memref<16xf32, #tpu.memory_space<hbm>>
      %dma_start3A_73 = arith.constant 0 : i32
      %dma_start3A_74 = tpu.memref_slice %arg7[%add3A, %dma_start3A_73] : memref<32x16xf32, #tpu.memory_space<hbm>> -> memref<1x16xf32, #tpu.memory_space<hbm>>
      %dma_start3A_75 = tpu.memref_squeeze %dma_start3A_74 : memref<1x16xf32, #tpu.memory_space<hbm>> -> memref<16xf32, #tpu.memory_space<hbm>>
      tpu.enqueue_dma source(%arg14 : memref<16xf32, #tpu.memory_space<vmem>>) target(%dma_start3A_75 : memref<16xf32, #tpu.memory_space<hbm>>) target_semaphore(%run_scoped3A : memref<!tpu.dma_semaphore, #tpu.memory_space<semaphore_mem>>)
      %dma_wait3A = arith.constant 0 : i32
      %dma_wait3A_76 = tpu.memref_slice %arg7[%add3A, %dma_wait3A] : memref<32x16xf32, #tpu.memory_space<hbm>> -> memref<1x16xf32, #tpu.memory_space<hbm>>
      %dma_wait3A_77 = tpu.memref_squeeze %dma_wait3A_76 : memref<1x16xf32, #tpu.memory_space<hbm>> -> memref<16xf32, #tpu.memory_space<hbm>>
      %dma_wait3A_78 = arith.constant 0 : i32
      %dma_wait3A_79 = tpu.memref_slice %arg7[%add3A, %dma_wait3A_78] : memref<32x16xf32, #tpu.memory_space<hbm>> -> memref<1x16xf32, #tpu.memory_space<hbm>>
      %dma_wait3A_80 = tpu.memref_squeeze %dma_wait3A_79 : memref<1x16xf32, #tpu.memory_space<hbm>> -> memref<16xf32, #tpu.memory_space<hbm>>
      tpu.wait_dma2 semaphore(%run_scoped3A : memref<!tpu.dma_semaphore, #tpu.memory_space<semaphore_mem>>) src(%arg14 : memref<16xf32, #tpu.memory_space<vmem>>) dst(%dma_wait3A_80 : memref<16xf32, #tpu.memory_space<hbm>>)
      tpu.yield
    }) : () -> ()
    return
  }
}

</mosaic_0001>

<sc_bundles>
// kernel: kernel.3.cloned.1.call-start
scs
__scs_entry_jumppad:
0x0: {  	(pc) =	sbr.rel $0x88, $3  }
0x1: {  	(tag) =	ssettag $0x0;
	lr =	simm.s32 $0x1  }
0x2: {  	[smem:$0x3F9A] =	sst lr;
	_ =	strace $0xD0000000  }
0x3: {  	_ = 	snop  }
0x4: {  	_ = 	snop  }
0x5: {  	_ = 	snop  }
0x6: {  	_ = 	snop  }
0x7: {  	_ = 	snop  }
__scs_overlays_trampoline_lowered:
0x8: {  	[smem:$0x3FA9] =	sst s0  }
0x9: {  	[smem:$0x3FAA] =	sst s1  }
0xa: {  	[smem:$0x3FAB] =	sst s2  }
0xb: {  	[smem:$0x3FAC] =	sst s3  }
0xc: {  	[smem:$0x3FAD] =	sst s4  }
0xd: {  	[smem:$0x3FAE] =	sst s5  }
0xe: {  	[smem:$0x3FAF] =	sst s6  }
0xf: {  	[smem:$0x3FB0] =	sst s7  }
0x10: {  	[smem:$0x3FB1] =	sst s8  }
0x11: {  	[smem:$0x3FB2] =	sst s9;
	s0 =	simm.s32 @!p0 $0x0  }
0x12: {  	s1 =	sld [smem:$0x3F98];
	s0 =	simm.s32 @p0 $0x1  }
0x13: {  	[smem:$0x3FB3] =	sst s0;
	s0 =	simm.s32 @!p1 $0x0  }
0x14: {  	s2 =	sld [smem:$0x3F97];
	s0 =	simm.s32 @p1 $0x1  }
0x15: {  	[smem:$0x3FB4] =	sst s0;
	s0 =	simm.s32 @!p2 $0x0  }
0x16: {  	s3 =	sld [smem:$0x3FDB];
	s0 =	simm.s32 @p2 $0x1  }
0x17: {  	s4 =	simm.s32 $0x1BF5;
	[smem:$0x3FB6] =	sst s0  }
0x18: {  	s0 =	sld [smem:$0x3F99];
	_ =	swait.ge [sflag:s4], $0x0  }
0x19: {  	s7 =	sld [smem:$0x3F9A]  }
0x1a: {  	s8 =	sadd.s32 $0xFFFFE003, lr  }
0x1b: {  	s9 =	sadd.s32 $0xFFFFFEF7, lr;
	s5 =	simm.s32 $0xFFFFFFFF;
	p2 =	slt.u32 s8, $0xFFFFF086  }
0x1c: {  	p1 =	slt.u32 s9, $0xF7A;
	s5 =	simm.s32 @!p2 $0x0  }
0x1d: {  	s5 =	simm.s32 @p1 $0x1;
	p0 =	seq.s32 s7, s2  }
0x1e: {  	s7 =	smul.u32 @!p0 $0xF7A, s2;
	p2 =	seq.s32 @!p0 s5, $0x0  }
0x1f: {  	s9 =	smul.u32 $0xF7A, s1;
	s8 =	simm.s32 @!p0 $0x1BF5;
	p2 =	por !p2, p0  }
0x20: {  	[sflag:s8] =	ssyncset.s32 @!p0 $0xFFFFF086;
	s6 =	sadd.s32 @!p0 s3, s7;
	s7 =	simm.s32 @!p0 $0x108  }
0x21: {  	s3 =	sadd.s32 s3, s9;
	s6 =	sadd.s32 @!p0 $0x88, s6;
	s7 =	simm.s32 @p2 $0x1082  }
0x22: {  	[simem:s7], [sflag:s8] =	dma.local @!p0 [hbm:s6], $0xF7A  }
0x23: {  	s9 =	sor.u32 $0xD0000000, s2;
	s6 =	simm.s32 $0x108;
	_ =	swait.ge @!p0 [sflag:s8], $0x0  }
0x24: {  	s3 =	sadd.s32 $0x88, s3;
	s6 =	simm.s32 @!p1 $0x1082;
	[sflag:s4] =	ssyncset.s32 $0xFFFFF086  }
0x25: {  	[simem:s6], [sflag:s4] =	dma.local [hbm:s3], $0xF7A  }
0x26: {  	[smem:$0x3F9A] =	sst s1;
	(tag) =	ssettag s2;
	_ =	strace s9  }
0x27: {  	s1 =	sld [smem:$0x3FAA]  }
0x28: {  	s2 =	sld [smem:$0x3FAB]  }
0x29: {  	s4 =	sld [smem:$0x3FAD]  }
0x2a: {  	p0 =	seq.s32 s5, $0x0;
	s5 =	sld [smem:$0x3FAE]  }
0x2b: {  	s6 =	sld [smem:$0x3FAF]  }
0x2c: {  	s7 =	sld [smem:$0x3FB0]  }
0x2d: {  	s3 =	simm.s32 $0x108;
	s8 =	sld [smem:$0x3FB1]  }
0x2e: {  	s3 =	simm.s32 @!p0 $0x1082;
	s9 =	sld [smem:$0x3FB2]  }
0x2f: {  	lr =	sadd.s32 s0, s3;
	s0 =	sld [smem:$0x3FA9]  }
0x30: {  	s3 =	sld [smem:$0x3FAC]  }
0x31: {  	[smem:$0x3FB5] =	sst s10  }
0x32: {  	s10 =	sld [smem:$0x3FB3];
	_ =	sdelay $0x3  }
0x33: {  	p0 =	seq.s32 s10, $0x1;
	s10 =	sld [smem:$0x3FB5];
	_ =	sdelay $0x3  }
0x34: {  	[smem:$0x3FB5] =	sst s10  }
0x35: {  	s10 =	sld [smem:$0x3FB4];
	_ =	sdelay $0x3  }
0x36: {  	p1 =	seq.s32 s10, $0x1;
	s10 =	sld [smem:$0x3FB5];
	_ =	sdelay $0x3  }
0x37: {  	[smem:$0x3FB5] =	sst s10  }
0x38: {  	s10 =	sld [smem:$0x3FB6]  }
0x39: {  	_ = 	snop;
	(pc) =	sbr.ind lr, $3  }
0x3a: {  	_ = 	snop  }
0x3b: {  	_ = 	snop  }
0x3c: {  	p2 =	seq.s32 s10, $0x1;
	s10 =	sld [smem:$0x3FB5]  }
0x3d: {  	_ =	shalt  }
0x3e: {  	_ =	shalt  }
0x3f: {  	_ =	shalt  }
0x40: {  	_ =	shalt  }
0x41: {  	_ =	shalt  }
0x42: {  	_ =	shalt  }
0x43: {  	_ =	shalt  }
0x44: {  	_ =	shalt  }
0x45: {  	_ =	shalt  }
0x46: {  	_ =	shalt  }
0x47: {  	_ =	shalt  }
0x48: {  	_ =	shalt  }
0x49: {  	_ =	shalt  }
0x4a: {  	_ =	shalt  }
0x4b: {  	_ =	shalt  }
0x4c: {  	_ =	shalt  }
0x4d: {  	_ =	shalt  }
0x4e: {  	_ =	shalt  }
0x4f: {  	_ =	shalt  }
0x50: {  	_ =	shalt  }
0x51: {  	_ =	shalt  }
0x52: {  	_ =	shalt  }
0x53: {  	_ =	shalt  }
0x54: {  	_ =	shalt  }
0x55: {  	_ =	shalt  }
0x56: {  	_ =	shalt  }
0x57: {  	_ =	shalt  }
0x58: {  	_ =	shalt  }
0x59: {  	_ =	shalt  }
0x5a: {  	_ =	shalt  }
0x5b: {  	_ =	shalt  }
0x5c: {  	_ =	shalt  }
0x5d: {  	_ =	shalt  }
0x5e: {  	_ =	shalt  }
0x5f: {  	_ =	shalt  }
0x60: {  	_ =	shalt  }
0x61: {  	_ =	shalt  }
0x62: {  	_ =	shalt  }
0x63: {  	_ =	shalt  }
0x64: {  	_ =	shalt  }
0x65: {  	_ =	shalt  }
0x66: {  	_ =	shalt  }
0x67: {  	_ =	shalt  }
0x68: {  	_ =	shalt  }
0x69: {  	_ =	shalt  }
0x6a: {  	_ =	shalt  }
0x6b: {  	_ =	shalt  }
0x6c: {  	_ =	shalt  }
0x6d: {  	_ =	shalt  }
0x6e: {  	_ =	shalt  }
0x6f: {  	_ =	shalt  }
0x70: {  	_ =	shalt  }
0x71: {  	_ =	shalt  }
0x72: {  	_ =	shalt  }
0x73: {  	_ =	shalt  }
0x74: {  	_ =	shalt  }
0x75: {  	_ =	shalt  }
0x76: {  	_ =	shalt  }
0x77: {  	_ =	shalt  }
0x78: {  	_ =	shalt  }
0x79: {  	_ =	shalt  }
0x7a: {  	_ =	shalt  }
0x7b: {  	_ =	shalt  }
0x7c: {  	_ =	shalt  }
0x7d: {  	_ =	shalt  }
0x7e: {  	_ =	shalt  }
0x7f: {  	_ =	shalt  }
0x80: {  	_ =	shalt  }
0x81: {  	_ =	shalt  }
0x82: {  	_ =	shalt  }
0x83: {  	_ =	shalt  }
0x84: {  	_ =	shalt  }
0x85: {  	_ =	shalt  }
0x86: {  	_ =	shalt  }
0x87: {  	_ =	shalt  }
.Lfunc_end0:
.L_simem_size_0:
called_computation_lowered:
.L_overlay_start_0:
0x88: {  	s2 =	sld [smem:$0x3FD9]  }
0x89: {  	s3 =	sld [smem:$0x3FFE];
	_ =	sdelay $0x1  }
0x8a: {  	s1 =	srdreg.scid  }
0x8b: {  	s0 =	sand.u32 $0x1, s1  }
0x8c: {  	s17 =	sshll.u32 s0, $0xA;
	s2 =	sadd.s32 s3, s2  }
0x8d: {  	s2 =	sadd.s32 s2, s17  }
0x8e: {  	[smem:$0x3FC1] =	sst s2  }
0x8f: {  	_ = 	snop  }
0x90: {  	s2 =	sld [smem:$0x3FD0];
	(tm) =	ssettm $0x1  }
0x91: {  	s18 =	sld [smem:$0x3FFB];
	_ =	sdelay $0x3  }
0x92: {  	_ =	strace s18  }
0x93: {  	s3 =	sld [smem:$0x3FFC];
	_ =	sdelay $0x3  }
0x94: {  	_ =	strace s3  }
0x95: {  	s3 =	sld [smem:$0x3FFD];
	_ =	sdelay $0x3  }
0x96: {  	_ =	strace s3  }
0x97: {  	_ =	strace $0x8FFFFFFF  }
0x98: {  	s19 =	sld [smem:$0x3FDB];
	_ =	sdelay $0x1  }
0x99: {  	s4 =	simm.s32 $_scs_section_size  }
0x9a: {  	s5 =	simm.s32 $_size__tile_overlayer_lowered;
	s6 =	simm.s32 $_tile_overlayer_lowered  }
0x9b: {  	s22 =	simm.s32 $0x1BFF;
	s21 =	sshll.u32 s6, $0x1;
	s3 =	sadd.s32 s4, s19  }
0x9c: {  	s7 =	simm.s32 $0x0;
	s20 =	sshll.u32 s5, $0x1;
	s5 =	sadd.s32 s21, s3  }
0x9d: {  	[timem:s7], [sflag:s22] =	dma.local [hbm:s5], s20  }
0x9e: {  	_ =	swait.ge [sflag:s22], s20  }
0x9f: {  	s4 =	ssub.s32 $0x0, s20;
	[sflag:s22] =	ssyncset.done $0x0  }
0xa0: {  	[sflag:s22] =	ssyncadd.s32 s4;
	_ =	sdelay $0x1  }
0xa1: {  	s23 =	simm.s32 $0x1B8B  }
0xa2: {  	_ =	swait.ge [sflag:s23], $0x1  }
0xa3: {  	[sflag:s23] =	ssyncset.done $0x0  }
0xa4: {  	s25 =	simm.s32 $0x1B8E;
	s24 =	sld [smem:$0x3FFE];
	[sflag:s23] =	ssyncadd.s32 $0xFFFFFFFF  }
0xa5: {  	s26 =	simm.s32 $execute0_lowered;
	[smem:$0x3FD2] =	sst s25  }
0xa6: {  	s5 =	sshll.u32 s26, $0x1;
	_ =	strace $0x80000046;
	[dreg:$0x1] =	wrdreg $0xFFFFFFFF  }
0xa7: {  	s28 =	simm.s32 $_size_execute0_lowered;
	s3 =	sadd.s32 s3, s5;
	[dreg:$0x0] =	wrdreg $0x0  }
0xa8: {  	s5 =	sshll.u32 s28, $0x1;
	[dreg:$0x2] =	wrdreg s3  }
0xa9: {  	[dreg:$0x3] =	wrdreg s5  }
0xaa: {  	[dreg:$0x4] =	wrdreg $0xC0  }
0xab: {  	_ =	task [dreg:s7], $0x5FFFF  }
0xac: {  	[dreg:$0x1] =	wrdreg $0xFFFFFFFF  }
0xad: {  	[dreg:$0x0] =	wrdreg $0x60  }
0xae: {  	[dreg:$0x2] =	wrdreg s24  }
0xaf: {  	[dreg:$0x3] =	wrdreg s2  }
0xb0: {  	[dreg:$0x4] =	wrdreg $0x9  }
0xb1: {  	_ =	task.clear_ibuf [dreg:s7], $0x5FFFF;
	_ =	strace $0x90000046  }
0xb2: {  	s29 =	simm.s32 $0x9;
	_ =	strace $0x80000048  }
0xb3: {  	_ =	swait.ge [sflag:s29], $0x1  }
0xb4: {  	[sflag:s29] =	ssyncadd.s32 $0xFFFFFFFF  }
0xb5: {  	_ =	strace $0x90000048  }
0xb6: {  	_ =	sfence  }
0xb7: {  	s30 =	sld [smem:$0x0];
	_ =	sdelay $0x2  }
0xb8: {  	s31 =	sshll.u32 s1, $0xD;
	s1 =	sshrl.u32 s1, $0x2  }
0xb9: {  	s3 =	sand.u32 $0x4000, s31;
	s1 =	sadd.s32 s1, s30  }
0xba: {  	s0 =	sor.u32 s3, s0;
	s1 =	sshll.u32 s1, $0x11  }
0xbb: {  	s0 =	sor.u32 s1, s0  }
0xbc: {  	s0 =	sadd.s32 $0x8F2B, s0  }
0xbd: {  	[sflag:s0] =	ssyncadd.remote.s32 $0x1  }
0xbe: {  	_ =	sfence.sel $0xFFFF  }
0xbf: {  	[dreg:$0x0] =	wrdreg $0xFFFFFFFF;
	(pc) =	sbr.abs _section_cstart, $3  }
0xc0: {  	[dreg:$0x1] =	wrdreg $0xFFFFFFFF  }
0xc1: {  	_ =	task.clear_ibuf [dreg:s7], $0x2FFFF;
	_ =	strace $0x9FFFFFFF  }
0xc2: {  	(tm) =	ssettm $0x7FFFFFFF  }
0xc3: {  	_ =	shalt  }
tec
execute0_lowered:
.L_overlay_start_1:
0x0: {  	(tag) =	ssettag $0x1  }
0x1: {  	s1 =	rddreg [dreg:$0x0];
	v3 =	vimm.s32 $0x7654321;
	v5 =	vimm.s32 $0x21076543;
	s14 =	simm.s32 $0x200  }
0x2: {  	v2 =	vlaneseq.u32;
	s15 =	simm.s32 $0x400;
	s16 =	simm.s32 $0x2400;
	s17 =	simm.s32 $0xC00;
	v10 =	vimm.s32 $0x32107654  }
0x3: {  	s4 =	simm.s32 $0x0;
	s0 =	srdreg.scid;
	s2 =	stileid.u32;
	v11 =	vimm.s32 $0x43210765;
	v12 =	vimm.s32 $0x54321076;
	v1 =	vmul.u32 $0x9, v2  }
0x4: {  	s19 =	simm.s32 $0x280;
	s20 =	simm.s32 $0x2C00;
	[smem:$0x7FF] =	sst s4;
	v26 =	vmul.u32 $0x10, v2;
	v4 =	vunpack.c.l.s4.s8 v3;
	v8 =	vunpack.c.l.s4.s8 v5  }
0x5: {  	s13 =	simm.s32 $0x2;
	s18 =	simm.s32 $0x80;
	v3 =	vimm.s32 $0x10765432;
	v10 =	vunpack.c.l.s4.s8 v10;
	v13 =	vunpack.c.l.s4.s8 v11;
	_ =	strace $0x80000047;
	[tilespmem:$0x1FFA0] =	vst v1  }
0x6: {  	s21 =	simm.s32 $0x100;
	s22 =	simm.s32 $0x1400;
	s23 =	simm.s32 $0x300;
	v14 =	vunpack.c.l.s4.s8 v12;
	v15 =	vunpack.c.0.s8.s32 v8;
	v0 =	vadd.s32 $0x6, v1;
	[tilespmem:$0x1FFF0] =	vst v26  }
0x7: {  	s24 =	simm.s32 $0x3400;
	s25 =	simm.s32 $0x180;
	s28 =	simm.s32 $0x380;
	v8 =	vunpack.c.0.s8.s32 v10;
	v10 =	vunpack.c.0.s8.s32 v13;
	v13 =	vadd.s32 $0x7, v1;
	[tilespmem:$0x1FF60] =	vst v0  }
0x8: {  	s29 =	simm.s32 $0x3C00;
	s30 =	simm.s32 $0x4400;
	s31 =	simm.s32 $0x1;
	v18 =	vand.u32 $0x7, v2;
	v12 =	vimm.s32 $0x65432107;
	v7 =	vadd.s32 $0x4, v1;
	[tilespmem:$0x1FF80] =	vst v13  }
0x9: {  	s5 =	sadd.s32 $0x125200, s1;
	s0 =	sand.u32 $0x1, s0;
	s2 =	sshll.u32 s2, $0x1;
	v16 =	vunpack.c.l.s4.s8 v12;
	v2 =	vadd.s32 $0x5, v1;
	v12 =	vunpack.c.0.s8.s32 v14;
	[tilespmem:$0x1FFB0] =	vst v7  }
0xa: {  	s6 =	sadd.s32 $0x30E00, s1;
	s7 =	sor.u32 s0, s2;
	s0 =	ssub.s32 $0x2, s0;
	v6 =	vunpack.c.l.s4.s8 v3;
	[tilespmem:$0x1FFE0] =	vst v2  }
0xb: {  	s8 =	sadd.s32 $0x6209C00, s1;
	s2 =	sshll.u32 s7, $0x1;
	s3 =	sshrl.u32 s0, $0x1;
	[tilespmem:$0x1FF70] =	vst v12  }
0xc: {  	s26 =	ssub.s32 $0xC54, s7;
	s2 =	sadd.s32 s2, s1;
	s0 =	ssub.s32 s0, s3;
	v9 =	vunpack.c.0.s8.s32 v6;
	v6 =	vadd.s32 $0x3, v1;
	v14 =	vunpack.c.0.s8.s32 v16;
	[tilespmem:$0x1FFC0] =	vst v8  }
0xd: {  	v3 =	vadd.s32 $0x1, v1;
	s10 =	sshrl.u32 s26, $0x5;
	s26 =	simm.s32 $0x1C00;
	s2 =	sadd.s32 $0x61C00, s2;
	[tilespmem:$0x1FFD0] =	vst v6  }
0xe: {  	v4 =	vunpack.c.0.s8.s32 v4;
	v5 =	vadd.s32 $0x2, v1;
	v16 =	vadd.s32 $0x8, v1;
	s3 =	simm.s32 $0x0;
	s11 =	smax.u32 s0, $0x1;
	[dreg:$0x3] =	wrdreg s2;
	[tilespmem:$0x1FF90] =	vst v14  }
.LBB2_1:
0xf: {  	s0 =	rddreg [dreg:$0x1];
	s2 =	simm.s32 $0x5600  }
0x10: {  	[tilespmem:s2], [sflag:$0x2] =	stream.linear.gather [hbm4b:s0+s4], $0x20, $0x38;
	[tilespmem:$0x5630] =	vst v63  }
0x11: {  	_ =	swait.ge [sflag:s13], $0x20  }
0x12: {  	[sflag:s13] =	ssyncset.done $0x0  }
0x13: {  	[sflag:s13] =	ssyncadd.s32 $0xFFFFFFE0  }
0x14: {  	v17 =	vld [tilespmem:$0x5600]  }
0x15: {  	v19 =	vld [tilespmem:$0x5610];
	_ =	sdelay $0x3  }
0x16: {  	[tilespmem:$0x1FF40] =	vst v17  }
0x17: {  	v20 =	vimm.f32 $0.0e+00;
	s2 =	simm.s32 $0x0;
	[tilespmem:$0x1FF50] =	vst v19  }
.LBB2_2:
0x18: {  	s0 =	sshll.u32 s2, $0x5  }
0x19: {  	s4 =	sor.u32 s7, s0  }
0x1a: {  	s0 =	sshll.u32 s4, $0x6  }
0x1b: {  	s12 =	sand.u32 $0x1FFFFFC0, s0  }
0x1c: {  	s0 =	simm.s32 $0x0;
	s9 =	sadd.s32 s6, s12  }
0x1d: {  	[tilespmem:s0], [sflag:$0x2] =	stream.linear.gather [hbm4b:s9+s0], $0x200, $0x38;
	[tilespmem:$0x5630] =	vst v63  }
0x1e: {  	_ =	swait.ge [sflag:s13], $0x200  }
0x1f: {  	[sflag:s13] =	ssyncset.done $0x0  }
0x20: {  	s12 =	sadd.s32 s1, s12;
	[sflag:s13] =	ssyncadd.s32 $0xFFFFFE00  }
0x21: {  	[tilespmem:s14], [sflag:$0x2] =	stream.linear.gather [hbm4b:s12+s0], $0x200, $0x38;
	[tilespmem:$0x5630] =	vst v63  }
0x22: {  	_ =	swait.ge [sflag:s13], $0x200  }
0x23: {  	[sflag:s13] =	ssyncset.done $0x0  }
0x24: {  	[sflag:s13] =	ssyncadd.s32 $0xFFFFFE00  }
0x25: {  	[tilespmem:s15], [sflag:$0x1] =	stream.indirect.gather [hbm4b:s5+s18], $0x10, s0, s18, $0xb8;
	[tilespmem:$0x5630] =	vst v63  }
0x26: {  	_ = 	snop  }
0x27: {  	[tilespmem:s16], [sflag:$0x1] =	stream.indirect.gather [hbm4b:s5+s18], $0x10, s14, s18, $0xb8;
	[tilespmem:$0x5630] =	vst v63  }
0x28: {  	_ = 	snop  }
0x29: {  	[tilespmem:s17], [sflag:$0x1] =	stream.indirect.gather [hbm4b:s5+s18], $0x10, s18, s18, $0xb8;
	[tilespmem:$0x5630] =	vst v63  }
0x2a: {  	_ = 	snop  }
0x2b: {  	[tilespmem:s20], [sflag:$0x1] =	stream.indirect.gather [hbm4b:s5+s18], $0x10, s19, s18, $0xb8;
	[tilespmem:$0x5630] =	vst v63  }
0x2c: {  	_ = 	snop  }
0x2d: {  	[tilespmem:s22], [sflag:$0x1] =	stream.indirect.gather [hbm4b:s5+s18], $0x10, s21, s18, $0xb8;
	[tilespmem:$0x5630] =	vst v63  }
0x2e: {  	_ = 	snop  }
0x2f: {  	[tilespmem:s24], [sflag:$0x1] =	stream.indirect.gather [hbm4b:s5+s18], $0x10, s23, s18, $0xb8;
	[tilespmem:$0x5630] =	vst v63  }
0x30: {  	s4 =	smul.u32 $0x1200, s4  }
0x31: {  	[tilespmem:s26], [sflag:$0x1] =	stream.indirect.gather [hbm4b:s5+s18], $0x10, s25, s18, $0xb8;
	[tilespmem:$0x5630] =	vst v63  }
0x32: {  	s4 =	sshrl.u32 s4, $0x3  }
0x33: {  	[tilespmem:s29], [sflag:$0x1] =	stream.indirect.gather [hbm4b:s5+s18], $0x10, s28, s18, $0xb8;
	[tilespmem:$0x5630] =	vst v63  }
0x34: {  	s4 =	sadd.s32 s8, s4  }
0x35: {  	[tilespmem:s30], [sflag:$0x1] =	stream.linear.gather [hbm4b:s4+s0], $0x1200, $0x38;
	[tilespmem:$0x5630] =	vst v63  }
0x36: {  	_ =	swait.ge [sflag:s31], $0x800  }
0x37: {  	[sflag:s31] =	ssyncset.done $0x0  }
0x38: {  	[sflag:s31] =	ssyncadd.s32 $0xFFFFF800  }
0x39: {  	_ =	swait.ge [sflag:s31], $0x800  }
0x3a: {  	[sflag:s31] =	ssyncset.done $0x0  }
0x3b: {  	[sflag:s31] =	ssyncadd.s32 $0xFFFFF800  }
0x3c: {  	_ =	swait.ge [sflag:s31], $0x800  }
0x3d: {  	[sflag:s31] =	ssyncset.done $0x0  }
0x3e: {  	[sflag:s31] =	ssyncadd.s32 $0xFFFFF800  }
0x3f: {  	_ =	swait.ge [sflag:s31], $0x800  }
0x40: {  	[sflag:s31] =	ssyncset.done $0x0  }
0x41: {  	[sflag:s31] =	ssyncadd.s32 $0xFFFFF800  }
0x42: {  	_ =	swait.ge [sflag:s31], $0x800  }
0x43: {  	[sflag:s31] =	ssyncset.done $0x0  }
0x44: {  	[sflag:s31] =	ssyncadd.s32 $0xFFFFF800  }
0x45: {  	_ =	swait.ge [sflag:s31], $0x800  }
0x46: {  	[sflag:s31] =	ssyncset.done $0x0  }
0x47: {  	[sflag:s31] =	ssyncadd.s32 $0xFFFFF800  }
0x48: {  	_ =	swait.ge [sflag:s31], $0x800  }
0x49: {  	[sflag:s31] =	ssyncset.done $0x0  }
0x4a: {  	v21 =	vadd.s32 s0, v13;
	[sflag:s31] =	ssyncadd.s32 $0xFFFFF800  }
0x4b: {  	v22 =	vadd.s32 s0, v7;
	v21 =	vand.u32 $0x3FF8, v21;
	_ =	swait.ge [sflag:s31], $0x800  }
0x4c: {  	v23 =	vadd.s32 s0, v0;
	v22 =	vand.u32 $0x3FF8, v22;
	v21 =	vor.u32 v14, v21;
	[sflag:s31] =	ssyncset.done $0x0  }
0x4d: {  	v24 =	vmov s0;
	v23 =	vand.u32 $0x3FF8, v23;
	v22 =	vor.u32 v8, v22;
	[sflag:s31] =	ssyncadd.s32 $0xFFFFF800  }
0x4e: {  	v25 =	vadd.s32 s0, v3;
	v24 =	vshll.u32 v24, $0x4;
	v23 =	vor.u32 v12, v23;
	_ =	swait.ge [sflag:s31], $0x1200  }
0x4f: {  	v25 =	vand.u32 $0x3FF8, v25;
	v24 =	vor.u32 v26, v24;
	[sflag:s31] =	ssyncset.done $0x0  }
0x50: {  	v25 =	vor.u32 v4, v25;
	[sflag:s31] =	ssyncadd.s32 $0xFFFFEE00  }
0x51: {  	v11 =	vmov v26;
	v26 =	vadd.s32 s0, v5;
	v27 =	vor.u32 $0x4, v24;
	v21 =	vld.idx.msk [tilespmem:v21+s30+$0x0], $0xffff  }
0x52: {  	v28 =	vadd.s32 s0, v1;
	v29 =	vor.u32 $0x3, v24;
	v26 =	vand.u32 $0x3FF8, v26;
	v22 =	vld.idx.msk [tilespmem:v22+s30+$0x0], $0xffff  }
0x53: {  	v28 =	vand.u32 $0x3FF8, v28;
	v26 =	vor.u32 v9, v26;
	v23 =	vld.idx.msk [tilespmem:v23+s30+$0x0], $0xffff  }
0x54: {  	v28 =	vor.u32 v18, v28;
	v30 =	vld.idx.msk [tilespmem:v24+s15+$0x0], $0xffff  }
0x55: {  	v31 =	vor.u32 $0x2, v24;
	v25 =	vld.idx.msk [tilespmem:v25+s30+$0x0], $0xffff  }
0x56: {  	v32 =	vadd.s32 s0, v6;
	v33 =	vor.u32 $0x1, v24;
	v34 =	vld.idx.msk [tilespmem:v27+s15+$0x0], $0xffff  }
0x57: {  	v36 =	vadd.s32 s0, v2;
	v32 =	vand.u32 $0x3FF8, v32;
	v35 =	vor.u32 $0x5, v24;
	v37 =	vld.idx.msk [tilespmem:v29+s15+$0x0], $0xffff  }
0x58: {  	v36 =	vand.u32 $0x3FF8, v36;
	v32 =	vor.u32 v15, v32;
	v26 =	vld.idx.msk [tilespmem:v26+s30+$0x0], $0xffff  }
0x59: {  	v38 =	vadd.s32 s0, v16;
	v36 =	vor.u32 v10, v36;
	v28 =	vld.idx.msk [tilespmem:v28+s30+$0x0], $0xffff  }
0x5a: {  	v38 =	vand.u32 $0x3FF8, v38;
	v39 =	vor.u32 $0x6, v24;
	v40 =	vld.idx.msk [tilespmem:v31+s15+$0x0], $0xffff  }
0x5b: {  	v38 =	vor.u32 v18, v38;
	v41 =	vld.idx.msk [tilespmem:v33+s15+$0x0], $0xffff  }
0x5c: {  	v43 =	vld.idx.msk [tilespmem:v35+s15+$0x0], $0xffff  }
0x5d: {  	v50 =	vor.u32 $0x8, v24;
	v32 =	vld.idx.msk [tilespmem:v32+s30+$0x0], $0xffff  }
0x5e: {  	v42 =	vor.u32 $0x7, v24;
	v36 =	vld.idx.msk [tilespmem:v36+s30+$0x0], $0xffff;
	v44 =	vmul.f32 v25, v37;
	v45 =	vmul.f32 v25, v30  }
0x5f: {  	v48 =	vld.idx.msk [tilespmem:v39+s15+$0x0], $0xffff;
	v46 =	vmul.f32 v26, v30;
	v30 =	vmul.f32 v28, v30  }
0x60: {  	v38 =	vld.idx.msk [tilespmem:v38+s30+$0x0], $0xffff;
	v47 =	vmul.f32 v26, v37;
	v49 =	vmul.f32 v23, v40  }
0x61: {  	v51 =	vmul.f32 v21, v40;
	v52 =	vmul.f32 v22, v41  }
0x62: {  	v58 =	vld.idx.msk [tilespmem:v50+s15+$0x0], $0xffff;
	v37 =	vmul.f32 v28, v37;
	v54 =	vmul.f32 v22, v34  }
0x63: {  	v53 =	vld.idx.msk [tilespmem:v42+s15+$0x0], $0xffff;
	v55 =	vmul.f32 v32, v41;
	v56 =	vmul.f32 v23, v43  }
0x64: {  	s9 =	simm.s32 $0x90;
	v57 =	vmul.f32 v21, v43;
	v41 =	vmul.f32 v36, v41  }
0x65: {  	v59 =	vadd.s32 s9, v1;
	v26 =	vmul.f32 v26, v48;
	v43 =	vmul.f32 v38, v43  }
0x66: {  	v62 =	vadd.s32 s9, v6;
	v25 =	vmul.f32 v25, v48;
	v40 =	vmul.f32 v38, v40  }
0x67: {  	v28 =	vmul.f32 v28, v48;
	v63 =	vmul.f32 v23, v58;
	v23 =	vadd.s32 s9, v13  }
0x68: {  	v22 =	vmul.f32 v22, v53;
	v21 =	vmul.f32 v21, v58;
	v23 =	vand.u32 $0x3FF8, v23  }
0x69: {  	v24 =	vld.idx.msk [tilespmem:v24+s16+$0x0], $0xffff;
	v45 =	vadd.f32 v52, v45;
	v52 =	vmul.f32 v36, v34;
	v44 =	vadd.f32 v54, v44  }
0x6a: {  	v27 =	vld.idx.msk [tilespmem:v27+s16+$0x0], $0xffff;
	v34 =	vmul.f32 v32, v34;
	v30 =	vadd.f32 v55, v30;
	v32 =	vmul.f32 v32, v53  }
0x6b: {  	s12 =	simm.s32 $0x10;
	v60 =	vld.idx.msk [tilespmem:v35+s16+$0x0], $0xffff;
	v41 =	vadd.f32 v41, v46;
	v36 =	vmul.f32 v36, v53;
	v53 =	vor.u32 v14, v23  }
0x6c: {  	v33 =	vld.idx.msk [tilespmem:v33+s16+$0x0], $0xffff;
	v23 =	vadd.s32 s9, v0;
	v54 =	vmov s12;
	v22 =	vadd.f32 v22, v25  }
0x6d: {  	v29 =	vld.idx.msk [tilespmem:v29+s16+$0x0], $0xffff;
	v25 =	vadd.s32 s9, v5;
	v23 =	vand.u32 $0x3FF8, v23;
	v46 =	vshll.u32 v54, $0x4  }
0x6e: {  	v31 =	vld.idx.msk [tilespmem:v31+s16+$0x0], $0xffff;
	v25 =	vand.u32 $0x3FF8, v25;
	v30 =	vadd.f32 v49, v30;
	v55 =	vor.u32 v12, v23  }
0x6f: {  	v39 =	vld.idx.msk [tilespmem:v39+s16+$0x0], $0xffff;
	v34 =	vadd.f32 v34, v37;
	v37 =	vadd.f32 v40, v41;
	v46 =	vor.u32 v11, v46  }
0x70: {  	v42 =	vld.idx.msk [tilespmem:v42+s16+$0x0], $0xffff;
	v40 =	vadd.f32 v57, v44;
	v41 =	vadd.f32 v51, v45;
	v25 =	vor.u32 v9, v25  }
0x71: {  	v50 =	vld.idx.msk [tilespmem:v50+s16+$0x0], $0xffff;
	v51 =	vadd.s32 s9, v7;
	v45 =	vand.u32 $0x3FF8, v59;
	v49 =	vor.u32 $0x3, v46  }
0x72: {  	v45 =	vor.u32 v18, v45;
	v17 =	vsub.f32 v30, v24;
	v24 =	vadd.f32 v36, v26;
	v36 =	vld.idx.msk [tilespmem:v53+s30+$0x0], $0xffff  }
0x73: {  	v23 =	vadd.s32 s9, v3;
	v44 =	vand.u32 $0x3FF8, v51;
	v35 =	vor.u32 $0x2, v46;
	v48 =	vld.idx.msk [tilespmem:v55+s30+$0x0], $0xffff  }
0x74: {  	v28 =	vadd.f32 v32, v28;
	v57 =	vand.u32 $0x3FF8, v23;
	v44 =	vor.u32 v8, v44;
	v61 =	vld.idx.msk [tilespmem:v46+s15+$0x0], $0xffff  }
0x75: {  	v21 =	vadd.f32 v21, v22;
	v47 =	vadd.f32 v52, v47;
	v26 =	vor.u32 v4, v57;
	v57 =	vld.idx.msk [tilespmem:v25+s30+$0x0], $0xffff  }
0x76: {  	v30 =	vor.u32 $0x4, v46;
	v40 =	vsub.f32 v40, v27;
	v27 =	vmul.f32 v38, v58;
	v51 =	vld.idx.msk [tilespmem:v49+s15+$0x0], $0xffff  }
0x77: {  	v34 =	vadd.f32 v56, v34;
	v56 =	vor.u32 $0x5, v46;
	v33 =	vsub.f32 v41, v33;
	v41 =	vld.idx.msk [tilespmem:v45+s30+$0x0], $0xffff  }
0x78: {  	v54 =	vor.u32 $0x1, v46;
	v24 =	vadd.f32 v27, v24;
	v27 =	vand.u32 $0x3FF8, v62;
	v22 =	vld.idx.msk [tilespmem:v35+s15+$0x0], $0xffff  }
0x79: {  	v32 =	vadd.f32 v63, v28;
	v21 =	vsub.f32 v21, v42;
	v63 =	vor.u32 v15, v27;
	v44 =	vld.idx.msk [tilespmem:v44+s30+$0x0], $0xffff  }
0x7a: {  	v58 =	vadd.s32 s9, v16;
	v31 =	vsub.f32 v37, v31;
	v45 =	vor.u32 $0x6, v46;
	v53 =	vld.idx.msk [tilespmem:v26+s30+$0x0], $0xffff  }
0x7b: {  	v59 =	vand.u32 $0x3FF8, v58;
	v28 =	vmul.f32 v40, v40;
	v55 =	vld.idx.msk [tilespmem:v30+s15+$0x0], $0xffff;
	v26 =	vadd.s32 s9, v2  }
0x7c: {  	[tilespmem:$0x1FF20] =	vst v17;
	v40 =	vor.u32 $0x7, v46;
	v27 =	vmul.f32 v21, v21;
	v37 =	vld.idx.msk [tilespmem:v56+s15+$0x0], $0xffff;
	v26 =	vand.u32 $0x3FF8, v26  }
0x7d: {  	v17 =	vsub.f32 v24, v50;
	v24 =	vor.u32 v10, v26;
	v26 =	vsub.f32 v34, v29;
	v29 =	vld.idx.msk [tilespmem:v54+s15+$0x0], $0xffff  }
0x7e: {  	v34 =	vor.u32 v18, v59;
	v42 =	vld.idx.msk [tilespmem:v63+s30+$0x0], $0xffff;
	v52 =	vmul.f32 v57, v61;
	v38 =	vmul.f32 v41, v61  }
0x7f: {  	v43 =	vadd.f32 v43, v47;
	v25 =	vmul.f32 v57, v51;
	v58 =	vmul.f32 v53, v61;
	v61 =	vld.idx.msk [tilespmem:v45+s15+$0x0], $0xffff  }
0x80: {  	v32 =	vsub.f32 v32, v39;
	v62 =	vmul.f32 v48, v22;
	v39 =	vmul.f32 v41, v51  }
0x81: {  	v60 =	vsub.f32 v43, v60;
	v43 =	vld.idx.msk [tilespmem:v40+s15+$0x0], $0xffff;
	v50 =	vmul.f32 v53, v51;
	v51 =	vmul.f32 v44, v55  }
0x82: {  	v59 =	vor.u32 $0x8, v46;
	v47 =	vmul.f32 v36, v22;
	v24 =	vld.idx.msk [tilespmem:v24+s30+$0x0], $0xffff;
	v63 =	vmul.f32 v44, v29  }
0x83: {  	v23 =	vmul.f32 v48, v37;
	v34 =	vld.idx.msk [tilespmem:v34+s30+$0x0], $0xffff;
	v50 =	vadd.f32 v51, v50;
	v21 =	vmul.f32 v42, v29  }
0x84: {  	v58 =	vadd.f32 v63, v58;
	v63 =	vmul.f32 v36, v37;
	v51 =	vmul.f32 v57, v61  }
0x85: {  	v46 =	vld.idx.msk [tilespmem:v46+s16+$0x0], $0xffff;
	v53 =	vmul.f32 v53, v61;
	v21 =	vadd.f32 v21, v38;
	v41 =	vmul.f32 v41, v61  }
0x86: {  	v61 =	vmul.f32 v42, v55;
	v42 =	vmul.f32 v42, v43  }
0x87: {  	v38 =	vld.idx.msk [tilespmem:v59+s15+$0x0], $0xffff;
	v29 =	vmul.f32 v24, v29;
	v57 =	vmul.f32 v24, v55;
	v21 =	vadd.f32 v62, v21  }
0x88: {  	v22 =	vmul.f32 v34, v22;
	v39 =	vadd.f32 v61, v39;
	v41 =	vadd.f32 v42, v41  }
0x89: {  	v30 =	vld.idx.msk [tilespmem:v30+s16+$0x0], $0xffff;
	v24 =	vmul.f32 v24, v43;
	v61 =	vadd.f32 v47, v58;
	v29 =	vadd.f32 v29, v52  }
0x8a: {  	s9 =	simm.s32 $0x120;
	v37 =	vmul.f32 v34, v37;
	v52 =	vadd.f32 v63, v50;
	v21 =	vsub.f32 v21, v46  }
0x8b: {  	v58 =	vadd.s32 s9, v13;
	v24 =	vadd.f32 v24, v51;
	v23 =	vadd.f32 v23, v39  }
0x8c: {  	v50 =	vadd.s32 s9, v7;
	v51 =	vadd.s32 s9, v0;
	v55 =	vmul.f32 v48, v38  }
0x8d: {  	v62 =	vld.idx.msk [tilespmem:v40+s16+$0x0], $0xffff;
	v36 =	vmul.f32 v36, v38;
	v34 =	vmul.f32 v34, v38;
	v42 =	vand.u32 $0x3FF8, v51  }
0x8e: {  	v29 =	vadd.f32 v22, v29;
	v22 =	vmul.f32 v44, v43;
	v30 =	vsub.f32 v52, v30;
	v52 =	vld.idx.msk [tilespmem:v54+s16+$0x0], $0xffff  }
0x8f: {  	v54 =	vld.idx.msk [tilespmem:v59+s16+$0x0], $0xffff;
	v42 =	vor.u32 v12, v42;
	v59 =	vadd.s32 s9, v5;
	v41 =	vadd.f32 v55, v41  }
0x90: {  	s12 =	simm.s32 $0x20;
	v49 =	vld.idx.msk [tilespmem:v49+s16+$0x0], $0xffff;
	v55 =	vadd.s32 s9, v3;
	v24 =	vadd.f32 v34, v24;
	v22 =	vadd.f32 v22, v53  }
0x91: {  	v40 =	vld.idx.msk [tilespmem:v56+s16+$0x0], $0xffff;
	v48 =	vand.u32 $0x3FF8, v59;
	v53 =	vmov s12;
	v56 =	vand.u32 $0x3FF8, v55  }
0x92: {  	v48 =	vor.u32 v9, v48;
	v46 =	vshll.u32 v53, $0x4;
	v22 =	vadd.f32 v36, v22  }
0x93: {  	v34 =	vor.u32 v4, v56;
	v36 =	vand.u32 $0x3FF8, v50;
	v46 =	vor.u32 v11, v46  }
0x94: {  	v35 =	vld.idx.msk [tilespmem:v35+s16+$0x0], $0xffff;
	v36 =	vor.u32 v8, v36;
	v38 =	vsub.f32 v22, v62;
	v22 =	vand.u32 $0x3FF8, v58  }
0x95: {  	v45 =	vld.idx.msk [tilespmem:v45+s16+$0x0], $0xffff;
	v51 =	vor.u32 v14, v22;
	v22 =	vsub.f32 v23, v49;
	v23 =	vadd.s32 s9, v2  }
0x96: {  	v43 =	vsub.f32 v61, v52;
	v47 =	vsub.f32 v24, v54;
	v42 =	vld.idx.msk [tilespmem:v42+s30+$0x0], $0xffff;
	v23 =	vand.u32 $0x3FF8, v23  }
0x97: {  	v11 =	vmovc v10;
	v24 =	vadd.s32 s9, v1;
	v52 =	vor.u32 $0x1, v46;
	v61 =	vor.u32 v10, v23;
	v10 =	vld [tilespmem:$0x1FF20]  }
0x98: {  	v44 =	vor.u32 $0x3, v46;
	v24 =	vand.u32 $0x3FF8, v24;
	v34 =	vld.idx.msk [tilespmem:v34+s30+$0x0], $0xffff  }
0x99: {  	v50 =	vor.u32 $0x4, v46;
	v49 =	vor.u32 v18, v24;
	v53 =	vld.idx.msk [tilespmem:v46+s15+$0x0], $0xffff  }
0x9a: {  	v24 =	vsub.f32 v29, v35;
	v35 =	vor.u32 $0x2, v46;
	v23 =	vsub.f32 v41, v45;
	v45 =	vld.idx.msk [tilespmem:v48+s30+$0x0], $0xffff  }
0x9b: {  	v33 =	vmul.f32 v33, v33;
	v63 =	vadd.s32 s9, v6;
	v36 =	vld.idx.msk [tilespmem:v36+s30+$0x0], $0xffff  }
0x9c: {  	v31 =	vmul.f32 v31, v31;
	v39 =	vand.u32 $0x3FF8, v63;
	v58 =	vld.idx.msk [tilespmem:v52+s15+$0x0], $0xffff;
	v62 =	vmul.f32 v10, v10  }
0x9d: {  	v32 =	vmul.f32 v32, v32;
	v25 =	vadd.f32 v57, v25;
	v39 =	vor.u32 v15, v39;
	v55 =	vld.idx.msk [tilespmem:v44+s15+$0x0], $0xffff  }
0x9e: {  	v63 =	vadd.s32 s9, v16;
	v41 =	vor.u32 $0x6, v46;
	v29 =	vld.idx.msk [tilespmem:v50+s15+$0x0], $0xffff;
	v33 =	vadd.f32 v33, v62  }
0x9f: {  	v26 =	vmul.f32 v26, v26;
	v25 =	vadd.f32 v37, v25;
	v48 =	vand.u32 $0x3FF8, v63;
	v57 =	vld.idx.msk [tilespmem:v35+s15+$0x0], $0xffff  }
0xa0: {  	v37 =	vmul.f32 v60, v60;
	v48 =	vor.u32 v18, v48;
	v49 =	vld.idx.msk [tilespmem:v49+s30+$0x0], $0xffff;
	v31 =	vadd.f32 v31, v33  }
0xa1: {  	v54 =	vld.idx.msk [tilespmem:v61+s30+$0x0], $0xffff;
	v60 =	vmul.f32 v34, v53;
	v61 =	vmul.f32 v36, v58  }
0xa2: {  	v56 =	vor.u32 $0x5, v46;
	v39 =	vld.idx.msk [tilespmem:v39+s30+$0x0], $0xffff;
	v59 =	vmul.f32 v34, v55;
	v31 =	vadd.f32 v26, v31  }
0xa3: {  	v62 =	vmul.f32 v36, v29;
	v60 =	vadd.f32 v61, v60;
	v26 =	vsub.f32 v25, v40;
	v40 =	vld.idx.msk [tilespmem:v41+s15+$0x0], $0xffff  }
0xa4: {  	v51 =	vld.idx.msk [tilespmem:v51+s30+$0x0], $0xffff;
	v61 =	vmul.f32 v42, v57;
	v33 =	vor.u32 $0x7, v46;
	v28 =	vadd.f32 v28, v31  }
0xa5: {  	[tilespmem:$0x1FF30] =	vst v17;
	v48 =	vld.idx.msk [tilespmem:v48+s30+$0x0], $0xffff;
	v25 =	vmul.f32 v45, v53;
	v53 =	vmul.f32 v49, v53  }
0xa6: {  	v10 =	vld [tilespmem:$0x1FF30];
	v31 =	vmul.f32 v45, v55;
	v28 =	vadd.f32 v37, v28;
	v37 =	vmul.f32 v54, v58  }
0xa7: {  	v59 =	vadd.f32 v62, v59;
	v62 =	vld.idx.msk [tilespmem:v56+s15+$0x0], $0xffff;
	v55 =	vmul.f32 v49, v55;
	v58 =	vmul.f32 v39, v58  }
0xa8: {  	v45 =	vmul.f32 v45, v40;
	v28 =	vadd.f32 v32, v28;
	v25 =	vadd.f32 v37, v25  }
0xa9: {  	v32 =	vld.idx.msk [tilespmem:v33+s15+$0x0], $0xffff;
	v37 =	vmul.f32 v39, v29;
	v53 =	vadd.f32 v58, v53;
	v58 =	vmul.f32 v34, v40  }
0xaa: {  	v63 =	vor.u32 $0x8, v46;
	v46 =	vld.idx.msk [tilespmem:v46+s16+$0x0], $0xffff;
	v40 =	vmul.f32 v49, v40;
	v34 =	vmul.f32 v48, v57  }
0xab: {  	v27 =	vadd.f32 v27, v28;
	v28 =	vadd.f32 v61, v53;
	v61 =	vmul.f32 v10, v10  }
0xac: {  	v53 =	vadd.f32 v37, v55;
	v55 =	vadd.f32 v34, v25;
	v25 =	vmul.f32 v51, v62  }
0xad: {  	v37 =	vmul.f32 v54, v29;
	v34 =	vadd.f32 v61, v27;
	v27 =	vmul.f32 v51, v57  }
0xae: {  	v49 =	vadd.f32 v25, v59;
	v25 =	vmul.f32 v38, v38;
	v39 =	vmul.f32 v39, v32  }
0xaf: {  	v29 =	vmul.f32 v54, v32;
	v36 =	vmul.f32 v36, v32;
	v32 =	vsub.f32 v28, v46  }
0xb0: {  	v57 =	vld.idx.msk [tilespmem:v63+s15+$0x0], $0xffff;
	v28 =	vmul.f32 v30, v30;
	v30 =	vmul.f32 v43, v43;
	v54 =	vadd.f32 v27, v60  }
0xb1: {  	v38 =	vld.idx.msk [tilespmem:v50+s16+$0x0], $0xffff;
	v60 =	vmul.f32 v42, v62;
	v27 =	vmul.f32 v47, v47;
	v61 =	vshrl.u32 v34, $0x1  }
0xb2: {  	v46 =	vld.idx.msk [tilespmem:v52+s16+$0x0], $0xffff;
	v47 =	vmul.f32 $5.000000000e-01, v34;
	v39 =	vadd.f32 v39, v40;
	v29 =	vadd.f32 v29, v45  }
0xb3: {  	s12 =	simm.s32 $0x1B0;
	v40 =	vmul.f32 v48, v62;
	v36 =	vadd.f32 v36, v58;
	v59 =	vsub.s32 $0x5F3759DF, v61  }
0xb4: {  	s9 =	simm.s32 $0x30;
	v35 =	vld.idx.msk [tilespmem:v35+s16+$0x0], $0xffff;
	v45 =	vadd.s32 s12, v6;
	v61 =	vadd.s32 s12, v13;
	v43 =	vadd.f32 v60, v53  }
0xb5: {  	v58 =	vld.idx.msk [tilespmem:v63+s16+$0x0], $0xffff;
	v60 =	vmul.f32 v59, v47;
	v63 =	vand.u32 $0x3FF8, v61;
	v53 =	vmov s9  }
0xb6: {  	v42 =	vmul.f32 v42, v57;
	v62 =	vmul.f32 v51, v57;
	v38 =	vsub.f32 v49, v38  }
0xb7: {  	v33 =	vld.idx.msk [tilespmem:v33+s16+$0x0], $0xffff;
	v48 =	vmul.f32 v48, v57;
	v6 =	vsub.f32 v54, v46;
	v54 =	vadd.s32 s12, v5  }
0xb8: {  	v44 =	vld.idx.msk [tilespmem:v44+s16+$0x0], $0xffff;
	v36 =	vadd.f32 v62, v36;
	v39 =	vadd.f32 v42, v39;
	v62 =	vmul.f32 v59, v60  }
0xb9: {  	v29 =	vadd.f32 v48, v29;
	v60 =	vadd.s32 s12, v7;
	v48 =	vor.u32 v14, v63  }
0xba: {  	v57 =	vld.idx.msk [tilespmem:v41+s16+$0x0], $0xffff;
	v42 =	vsub.f32 v55, v35;
	v61 =	vsub.f32 $1.500000000e+00, v62;
	v62 =	vadd.s32 s12, v0  }
0xbb: {  	v49 =	vand.u32 $0x3FF8, v60;
	v60 =	vadd.s32 s12, v3;
	v63 =	vand.u32 $0x3FF8, v62  }
0xbc: {  	v33 =	vsub.f32 v36, v33;
	v52 =	vmul.f32 v59, v61;
	v51 =	vor.u32 v12, v63;
	v12 =	vld [tilespmem:$0x1FFF0]  }
0xbd: {  	v46 =	vsub.f32 v29, v58;
	v36 =	vsub.f32 v43, v44;
	v49 =	vor.u32 v8, v49  }
0xbe: {  	v43 =	vmul.f32 v6, v6;
	v6 =	vadd.s32 s12, v1;
	v7 =	vmul.f32 v52, v47  }
0xbf: {  	v50 =	vand.u32 $0x3FF8, v6;
	v62 =	vshll.u32 v53, $0x4;
	v39 =	vsub.f32 v39, v57  }
0xc0: {  	v19 =	vmovc v16;
	v17 =	vmovc v15;
	v29 =	vmul.f32 v33, v33;
	v63 =	vand.u32 $0x3FF8, v60;
	v61 =	vmul.f32 v7, v52  }
0xc1: {  	v15 =	vmovc v5;
	v33 =	vmul.f32 v38, v38;
	v53 =	vor.u32 v4, v63;
	v44 =	vor.u32 v12, v62  }
0xc2: {  	s0 =	simm.s32 $0x40;
	v13 =	vmovc v3;
	v41 =	vld.idx.msk [tilespmem:v56+s16+$0x0], $0xffff;
	v14 =	vmovc v4;
	v55 =	vsub.f32 $1.500000000e+00, v61;
	v38 =	vor.u32 $0x1, v44;
	v35 =	vor.u32 $0x2, v44  }
.LBB2_3:
0xc3: {  	_ =	sdelay $0x2  }
0xc4: {  	v48 =	vld.idx.msk [tilespmem:v48+s30+$0x0], $0xffff  }
0xc5: {  	v59 =	vld.idx.msk [tilespmem:v49+s30+$0x0], $0xffff  }
0xc6: {  	v51 =	vld.idx.msk [tilespmem:v51+s30+$0x0], $0xffff  }
0xc7: {  	v56 =	vor.u32 $0x3, v44;
	v57 =	vor.u32 $0x4, v44;
	v61 =	vld.idx.msk [tilespmem:v44+s15+$0x0], $0xffff  }
0xc8: {  	v54 =	vand.u32 $0x3FF8, v54;
	v7 =	vor.u32 v18, v50;
	v50 =	vld.idx.msk [tilespmem:v53+s30+$0x0], $0xffff;
	v6 =	vmul.f32 v21, v21  }
0xc9: {  	v62 =	vadd.s32 s12, v2;
	v21 =	vmovc v32;
	v32 =	vld.idx.msk [tilespmem:v35+s15+$0x0], $0xffff;
	v52 =	vmul.f32 v55, v52;
	v54 =	vor.u32 v9, v54  }
0xca: {  	v1 =	vld.idx.msk [tilespmem:v38+s15+$0x0], $0xffff;
	v55 =	vor.u32 $0x5, v44;
	v4 =	vand.u32 $0x3FF8, v62  }
0xcb: {  	v31 =	vadd.f32 v37, v31;
	v3 =	vld [tilespmem:$0x1FF40];
	v53 =	vor.u32 v11, v4;
	v47 =	vmul.f32 v52, v47  }
0xcc: {  	v24 =	vmul.f32 v24, v24;
	v37 =	vadd.f32 v30, v6;
	v62 =	vld.idx.msk [tilespmem:v57+s15+$0x0], $0xffff  }
0xcd: {  	v31 =	vadd.f32 v40, v31;
	v47 =	vmul.f32 v47, v52;
	v40 =	vld.idx.msk [tilespmem:v56+s15+$0x0], $0xffff  }
0xce: {  	v6 =	vadd.f32 v24, v37;
	v37 =	vmul.f32 v22, v22;
	v54 =	vld.idx.msk [tilespmem:v54+s30+$0x0], $0xffff  }
0xcf: {  	v60 =	vor.u32 $0x7, v44;
	v45 =	vand.u32 $0x3FF8, v45;
	v63 =	vld.idx.msk [tilespmem:v55+s15+$0x0], $0xffff;
	v47 =	vsub.f32 $1.500000000e+00, v47  }
0xd0: {  	v58 =	vor.u32 $0x6, v44;
	v45 =	vor.u32 v17, v45;
	v30 =	vmovc v43;
	v37 =	vadd.f32 v37, v6;
	v43 =	vld.idx.msk [tilespmem:v53+s30+$0x0], $0xffff  }
0xd1: {  	v0 =	vmul.f32 v26, v26;
	v4 =	vld [tilespmem:$0x1FF50];
	v31 =	vsub.f32 v31, v41;
	v5 =	vmul.f32 v47, v52  }
0xd2: {  	v37 =	vadd.f32 v28, v37;
	v47 =	vld.idx.msk [tilespmem:v7+s30+$0x0], $0xffff;
	v7 =	vadd.s32 s12, v19;
	v52 =	vmul.f32 v50, v40  }
0xd3: {  	v16 =	vmovc v9;
	v26 =	vmovc v31;
	v31 =	vand.u32 $0x3FF8, v7;
	v34 =	vmul.f32 v5, v34;
	v53 =	vmul.f32 v54, v61  }
0xd4: {  	v7 =	vld.idx.msk [tilespmem:v60+s15+$0x0], $0xffff;
	v41 =	vor.u32 v18, v31;
	v5 =	vmul.f32 v48, v32;
	v9 =	vmul.f32 v51, v63  }
0xd5: {  	v0 =	vadd.f32 v0, v37;
	v37 =	vmul.f32 v43, v62;
	v31 =	vmul.f32 v34, v3;
	v34 =	vld.idx.msk [tilespmem:v45+s30+$0x0], $0xffff  }
0xd6: {  	v49 =	vor.u32 $0x8, v44;
	v22 =	vmovc v36;
	v45 =	vmul.f32 v50, v61;
	v3 =	vmul.f32 v23, v23  }
0xd7: {  	v36 =	vld.idx.msk [tilespmem:v44+s16+$0x0], $0xffff;
	v44 =	vmul.f32 v47, v61;
	v6 =	vmul.f32 v47, v40;
	v23 =	vadd.f32 v31, v4  }
0xd8: {  	v61 =	vld.idx.msk [tilespmem:v58+s15+$0x0], $0xffff;
	v31 =	vmul.f32 v54, v40;
	v4 =	vmul.f32 v51, v32;
	v0 =	vadd.f32 v3, v0  }
0xd9: {  	v24 =	vmovc v42;
	v40 =	vmul.f32 v59, v62;
	v42 =	vld.idx.msk [tilespmem:v41+s30+$0x0], $0xffff;
	v41 =	vmul.f32 v59, v1;
	v10 =	vsub.f32 $0.0e+00, v23  }
0xda: {  	v0 =	vadd.f32 v25, v0;
	v25 =	vmovc v29;
	v29 =	vmul.f32 v43, v7;
	v62 =	vmul.f32 v34, v62  }
0xdb: {  	v8 =	vmul.f32 $1.442695020e+00, v10;
	v23 =	vmov v39;
	v39 =	vmul.f32 v34, v1  }
0xdc: {  	v45 =	vadd.f32 v41, v45;
	v10 =	vmul.f32 v48, v63;
	v1 =	vmul.f32 v43, v1  }
0xdd: {  	v35 =	vld.idx.msk [tilespmem:v35+s16+$0x0], $0xffff;
	v52 =	vadd.f32 v40, v52;
	v50 =	vmul.f32 v50, v61;
	v47 =	vmul.f32 v47, v61  }
0xde: {  	v28 =	vmovc v33;
	v33 =	vld.idx.msk [tilespmem:v49+s15+$0x0], $0xffff;
	v6 =	vadd.f32 v62, v6;
	v5 =	vadd.f32 v5, v45;
	(erf) = vpow2.f32 v8  }
0xdf: {  	v8 =	vld.idx.msk [tilespmem:v38+s16+$0x0], $0xffff;
	v38 =	vmul.f32 v54, v61;
	v1 =	vadd.f32 v1, v53;
	v40 =	vmul.f32 v42, v63  }
0xe0: {  	v57 =	vld.idx.msk [tilespmem:v57+s16+$0x0], $0xffff;
	v39 =	vadd.f32 v39, v44;
	v63 =	vmul.f32 v34, v7;
	v34 =	vadd.f32 v27, v0  }
0xe1: {  	v3 =	vld.idx.msk [tilespmem:v56+s16+$0x0], $0xffff;
	v32 =	vmul.f32 v42, v32;
	v7 =	vmul.f32 v59, v7;
	v0 =	vadd.f32 v10, v52  }
0xe2: {  	v56 =	vld.idx.msk [tilespmem:v58+s16+$0x0], $0xffff;
	v10 =	vadd.f32 v63, v47;
	v52 =	vshrl.u32 v34, $0x1;
	v47 =	vmul.f32 $5.000000000e-01, v34  }
0xe3: {  	v41 =	vld.idx.msk [tilespmem:v55+s16+$0x0], $0xffff;
	v6 =	vadd.f32 v9, v6;
	v9 =	vmul.f32 v42, v33;
	v55 =	vsub.s32 $0x5F3759DF, v52  }
0xe4: {  	v62 =	vld.idx.msk [tilespmem:v60+s16+$0x0], $0xffff;
	v4 =	vadd.f32 v4, v39;
	v1 =	vadd.f32 v32, v1;
	v58 =	vmul.f32 v55, v47  }
0xe5: {  	v60 =	vld [tilespmem:$0x1FFB0];
	v63 =	vmul.f32 v51, v33;
	v51 =	vmul.f32 v48, v33;
	v54 =	vadd.f32 v29, v38  }
0xe6: {  	v53 =	vld.idx.msk [tilespmem:v49+s16+$0x0], $0xffff;
	v7 =	vadd.f32 v7, v50;
	v0 =	vsub.f32 v0, v57;
	v33 =	vmul.f32 v55, v58  }
0xe7: {  	v32 =	vsub.f32 v4, v36;
	v36 =	vsub.f32 v6, v3;
	v3 =	vld [tilespmem:$0x1FF60]  }
0xe8: {  	v7 =	vadd.f32 v51, v7;
	v61 =	vsub.f32 $1.500000000e+00, v33;
	v33 =	vmul.f32 v0, v0;
	v0 =	vld [tilespmem:$0x1FFC0];
	v29 =	vpop (erf)  }
0xe9: {  	v46 =	vmul.f32 v46, v46;
	v4 =	vadd.f32 v9, v54;
	v29 =	vadd.f32 $1.000000000e+00, v29  }
0xea: {  	s12 =	sadd.s32 $0x90, s12;
	v57 =	vld [tilespmem:$0x1FFD0];
	v10 =	vadd.f32 v63, v10;
	v42 =	vsub.f32 v1, v35  }
0xeb: {  	v27 =	vmovc v46;
	v9 =	vld [tilespmem:$0x1FF80];
	v46 =	vsub.f32 v4, v53;
	v4 =	vadd.s32 s12, v60;
	(erf) = vrcp.f32 v29  }
0xec: {  	s4 =	smov.u32 s0;
	v7 =	vsub.f32 v7, v62;
	v62 =	vld [tilespmem:$0x1FF70];
	v4 =	vand.u32 $0x3FF8, v4;
	v3 =	vadd.s32 s12, v3  }
0xed: {  	v1 =	vmov s4;
	v49 =	vor.u32 v0, v4;
	v0 =	vand.u32 $0x3FF8, v3;
	v3 =	vld [tilespmem:$0x1FFA0]  }
0xee: {  	v54 =	vadd.s32 s12, v15;
	v5 =	vsub.f32 v5, v8;
	v1 =	vshll.u32 v1, $0x4  }
0xef: {  	v8 =	vld [tilespmem:$0x1FF90];
	v44 =	vor.u32 v12, v1;
	v39 =	vsub.f32 v10, v56;
	v52 =	vmul.f32 v55, v61  }
0xf0: {  	p0 =	sne.s32 s0, $0x1F0;
	v45 =	vadd.s32 s12, v57;
	v43 =	vmul.f32 v5, v5;
	v38 =	vor.u32 $0x1, v44  }
.Ltmp0:
0xf1: {  	v9 =	vadd.s32 s12, v9;
	v51 =	vor.u32 v62, v0;
	v0 =	vmul.f32 v52, v47;
	(pc) =	sbr.rel @p0 .LBB2_3-.Ltmp0, $4  }
0xf2: {  	v35 =	vor.u32 $0x2, v44;
	v59 =	vand.u32 $0x3FF8, v9;
	v3 =	vadd.s32 s12, v3  }
0xf3: {  	v0 =	vmul.f32 v0, v52;
	v50 =	vand.u32 $0x3FF8, v3;
	v3 =	vadd.s32 s12, v13  }
0xf4: {  	v48 =	vor.u32 v8, v59;
	v29 =	vmul.f32 v7, v7;
	v3 =	vand.u32 $0x3FF8, v3;
	v63 =	vpop (erf)  }
0xf5: {  	s0 =	sadd.s32 $0x10, s0;
	v9 =	vmovc v16;
	v55 =	vsub.f32 $1.500000000e+00, v0;
	v53 =	vor.u32 v14, v3;
	v20 =	vadd.f32 v63, v20  }
0xf6: {  	_ =	sdelay $0x3  }
0xf7: {  	v3 =	vld.idx.msk [tilespmem:v48+s30+$0x0], $0xffff  }
0xf8: {  	v1 =	vor.u32 $0x3, v44;
	v4 =	vor.u32 $0x4, v44;
	v5 =	vand.u32 $0x3FF8, v54;
	v6 =	vld.idx.msk [tilespmem:v49+s30+$0x0], $0xffff  }
0xf9: {  	v8 =	vld.idx.msk [tilespmem:v51+s30+$0x0], $0xffff;
	v63 =	vor.u32 v18, v50;
	v48 =	vor.u32 $0x6, v44;
	v21 =	vmul.f32 v21, v21  }
0xfa: {  	v10 =	vld.idx.msk [tilespmem:v44+s15+$0x0], $0xffff;
	v49 =	vor.u32 $0x7, v44;
	v26 =	vmul.f32 v26, v26;
	v24 =	vmul.f32 v24, v24  }
0xfb: {  	v51 =	vld.idx.msk [tilespmem:v53+s30+$0x0], $0xffff;
	v31 =	vadd.f32 v37, v31;
	v22 =	vmul.f32 v22, v22;
	v0 =	vmul.f32 v55, v52  }
0xfc: {  	v62 =	vld [tilespmem:$0x1FF40];
	v23 =	vmul.f32 v23, v23;
	v42 =	vmul.f32 v42, v42;
	v5 =	vor.u32 v9, v5  }
0xfd: {  	v45 =	vand.u32 $0x3FF8, v45;
	v36 =	vmul.f32 v36, v36;
	v7 =	vmul.f32 v0, v47;
	v47 =	vld.idx.msk [tilespmem:v35+s15+$0x0], $0xffff  }
0xfe: {  	v9 =	vor.u32 $0x5, v44;
	v31 =	vadd.f32 v40, v31;
	v21 =	vadd.f32 v30, v21;
	v50 =	vld.idx.msk [tilespmem:v1+s15+$0x0], $0xffff  }
0xff: {  	v58 =	vor.u32 v17, v45;
	v56 =	vadd.s32 s12, v2;
	v7 =	vmul.f32 v7, v0;
	v53 =	vld.idx.msk [tilespmem:v4+s15+$0x0], $0xffff  }
0x100: {  	v21 =	vadd.f32 v24, v21;
	v31 =	vsub.f32 v31, v41;
	v57 =	vand.u32 $0x3FF8, v56;
	v41 =	vld.idx.msk [tilespmem:v48+s15+$0x0], $0xffff  }
0x101: {  	v55 =	vmul.f32 v51, v10;
	v37 =	vor.u32 v11, v57;
	v5 =	vld.idx.msk [tilespmem:v5+s30+$0x0], $0xffff;
	v7 =	vsub.f32 $1.500000000e+00, v7  }
0x102: {  	v45 =	vld.idx.msk [tilespmem:v63+s30+$0x0], $0xffff;
	v21 =	vadd.f32 v22, v21;
	v31 =	vmul.f32 v31, v31;
	v22 =	vmul.f32 v8, v47  }
0x103: {  	v59 =	vadd.s32 s12, v19;
	v54 =	vld.idx.msk [tilespmem:v9+s15+$0x0], $0xffff;
	v57 =	vmul.f32 v3, v47;
	v0 =	vmul.f32 v7, v0  }
0x104: {  	v60 =	vand.u32 $0x3FF8, v59;
	v7 =	vmul.f32 v46, v46;
	v46 =	vld.idx.msk [tilespmem:v38+s15+$0x0], $0xffff;
	v30 =	vmul.f32 v51, v50  }
0x105: {  	v40 =	vld.idx.msk [tilespmem:v58+s30+$0x0], $0xffff;
	v21 =	vadd.f32 v28, v21;
	v59 =	vmul.f32 v6, v53;
	v51 =	vmul.f32 v51, v41  }
0x106: {  	v28 =	vld.idx.msk [tilespmem:v49+s15+$0x0], $0xffff;
	v0 =	vmul.f32 v0, v34;
	v34 =	vor.u32 v18, v60;
	v24 =	vmul.f32 v5, v10  }
0x107: {  	v21 =	vadd.f32 v26, v21;
	v37 =	vld.idx.msk [tilespmem:v37+s30+$0x0], $0xffff;
	v10 =	vmul.f32 v45, v10;
	v56 =	vmul.f32 v5, v50  }
0x108: {  	v52 =	vor.u32 $0x8, v44;
	v63 =	vld [tilespmem:$0x1FF50];
	v50 =	vmul.f32 v45, v50;
	v5 =	vmul.f32 v5, v41  }
0x109: {  	v41 =	vmul.f32 v45, v41;
	v21 =	vadd.f32 v23, v21;
	v58 =	vmul.f32 v6, v46  }
0x10a: {  	v30 =	vadd.f32 v59, v30;
	v0 =	vmul.f32 v0, v62;
	v60 =	vmul.f32 v40, v46  }
0x10b: {  	v21 =	vadd.f32 v25, v21;
	v6 =	vmul.f32 v6, v28;
	v34 =	vld.idx.msk [tilespmem:v34+s30+$0x0], $0xffff;
	v55 =	vadd.f32 v58, v55  }
0x10c: {  	v58 =	vmul.f32 v8, v54;
	v26 =	vmul.f32 v37, v46;
	v10 =	vadd.f32 v60, v10  }
0x10d: {  	v0 =	vadd.f32 v0, v63;
	v46 =	vmul.f32 v3, v54;
	v59 =	vmul.f32 v37, v53  }
0x10e: {  	v21 =	vadd.f32 v27, v21;
	v10 =	vadd.f32 v22, v10;
	v22 =	vmul.f32 v32, v32  }
0x10f: {  	v37 =	vmul.f32 v37, v28;
	v6 =	vadd.f32 v6, v51;
	v23 =	vadd.f32 v26, v24  }
0x110: {  	v24 =	vmul.f32 v40, v53;
	v22 =	vadd.f32 v43, v22;
	v25 =	vmul.f32 v34, v47  }
0x111: {  	v61 =	vld.idx.msk [tilespmem:v44+s16+$0x0], $0xffff;
	v0 =	vsub.f32 $0.0e+00, v0;
	v40 =	vmul.f32 v40, v28;
	v28 =	vmul.f32 $5.000000000e-01, v21  }
0x112: {  	v4 =	vld.idx.msk [tilespmem:v4+s16+$0x0], $0xffff;
	v22 =	vadd.f32 v42, v22;
	v23 =	vadd.f32 v25, v23;
	v25 =	vshrl.u32 v21, $0x1  }
0x113: {  	v27 =	vld.idx.msk [tilespmem:v52+s15+$0x0], $0xffff;
	v30 =	vadd.f32 v46, v30;
	v46 =	vadd.f32 v57, v55;
	v25 =	vsub.s32 $0x5F3759DF, v25  }
0x114: {  	v45 =	vld.idx.msk [tilespmem:v38+s16+$0x0], $0xffff;
	v5 =	vadd.f32 v37, v5;
	v22 =	vadd.f32 v36, v22;
	v47 =	vmul.f32 v25, v28  }
0x115: {  	v55 =	vmul.f32 v39, v39;
	v59 =	vadd.f32 v59, v56;
	v24 =	vadd.f32 v24, v50  }
0x116: {  	v40 =	vadd.f32 v40, v41;
	v50 =	vld.idx.msk [tilespmem:v35+s16+$0x0], $0xffff;
	v22 =	vadd.f32 v33, v22;
	v53 =	vmul.f32 v25, v47  }
0x117: {  	v1 =	vld.idx.msk [tilespmem:v1+s16+$0x0], $0xffff;
	v10 =	vsub.f32 v10, v61;
	v4 =	vsub.f32 v30, v4;
	v26 =	vmul.f32 v34, v54  }
0x118: {  	v8 =	vmul.f32 v8, v27;
	v22 =	vadd.f32 v31, v22;
	v54 =	vsub.f32 $1.500000000e+00, v53  }
0x119: {  	v57 =	vsub.f32 v46, v45;
	v3 =	vmul.f32 v3, v27;
	v27 =	vmul.f32 v34, v27  }
0x11a: {  	v24 =	vadd.f32 v58, v24;
	v22 =	vadd.f32 v55, v22;
	v25 =	vmul.f32 v25, v54  }
0x11b: {  	v30 =	vmul.f32 v57, v57;
	v10 =	vmul.f32 v10, v10;
	v23 =	vsub.f32 v23, v50  }
0x11c: {  	v9 =	vld.idx.msk [tilespmem:v9+s16+$0x0], $0xffff;
	v1 =	vsub.f32 v24, v1;
	v22 =	vadd.f32 v29, v22;
	v24 =	vmul.f32 v25, v28  }
0x11d: {  	v58 =	vld.idx.msk [tilespmem:v48+s16+$0x0], $0xffff;
	v4 =	vmul.f32 v4, v4;
	v10 =	vadd.f32 v30, v10;
	v23 =	vmul.f32 v23, v23  }
0x11e: {  	v8 =	vadd.f32 v8, v40;
	v7 =	vadd.f32 v7, v22;
	v24 =	vmul.f32 v24, v25  }
0x11f: {  	v26 =	vadd.f32 v26, v59;
	v1 =	vmul.f32 v1, v1;
	v10 =	vadd.f32 v23, v10  }
0x120: {  	v22 =	vld.idx.msk [tilespmem:v49+s16+$0x0], $0xffff;
	v60 =	vmul.f32 $5.000000000e-01, v7;
	v23 =	vsub.f32 $1.500000000e+00, v24;
	v24 =	vshrl.u32 v7, $0x1  }
0x121: {  	v61 =	vld.idx.msk [tilespmem:v52+s16+$0x0], $0xffff;
	v9 =	vsub.f32 v26, v9;
	v1 =	vadd.f32 v1, v10;
	v24 =	vsub.s32 $0x5F3759DF, v24  }
0x122: {  	v3 =	vadd.f32 v3, v6;
	v6 =	vsub.f32 v8, v58;
	v8 =	vmul.f32 v24, v60  }
0x123: {  	v9 =	vmul.f32 v9, v9;
	v1 =	vadd.f32 v4, v1;
	v10 =	vmul.f32 v23, v25  }
0x124: {  	v6 =	vmul.f32 v6, v6;
	v4 =	vadd.f32 v27, v5;
	v5 =	vmul.f32 v24, v8  }
0x125: {  	v1 =	vadd.f32 v9, v1;
	v3 =	vsub.f32 v3, v22;
	v8 =	vmul.f32 v10, v28  }
0x126: {  	v4 =	vsub.f32 v4, v61;
	v5 =	vsub.f32 $1.500000000e+00, v5  }
0x127: {  	v1 =	vadd.f32 v6, v1;
	v3 =	vmul.f32 v3, v3;
	v8 =	vmul.f32 v8, v10  }
0x128: {  	v0 =	vmul.f32 $1.442695020e+00, v0;
	v5 =	vmul.f32 v24, v5  }
0x129: {  	v4 =	vmul.f32 v4, v4;
	v1 =	vadd.f32 v3, v1;
	v6 =	vsub.f32 $1.500000000e+00, v8  }
0x12a: {  	(erf) = vpow2.f32 v0;
	v0 =	vmul.f32 v5, v60  }
0x12b: {  	v1 =	vadd.f32 v4, v1;
	v3 =	vmul.f32 v6, v10  }
0x12c: {  	v0 =	vmul.f32 v0, v5  }
0x12d: {  	v4 =	vshrl.u32 v1, $0x1;
	v6 =	vmul.f32 $5.000000000e-01, v1;
	v3 =	vmul.f32 v3, v21  }
0x12e: {  	v4 =	vsub.s32 $0x5F3759DF, v4;
	v0 =	vsub.f32 $1.500000000e+00, v0  }
0x12f: {  	v8 =	vmul.f32 v4, v6;
	v3 =	vmul.f32 v3, v62  }
0x130: {  	v0 =	vmul.f32 v0, v5  }
0x131: {  	v3 =	vadd.f32 v3, v63;
	v5 =	vmul.f32 v4, v8  }
0x132: {  	v8 =	vmul.f32 v0, v60  }
0x133: {  	v9 =	vpop (erf);
	v3 =	vsub.f32 $0.0e+00, v3;
	v5 =	vsub.f32 $1.500000000e+00, v5  }
0x134: {  	v9 =	vadd.f32 $1.000000000e+00, v9;
	v8 =	vmul.f32 v8, v0  }
0x135: {  	v3 =	vmul.f32 $1.442695020e+00, v3;
	v4 =	vmul.f32 v4, v5  }
0x136: {  	(erf) = vrcp.f32 v9;
	v5 =	vsub.f32 $1.500000000e+00, v8  }
0x137: {  	(erf) = vpow2.f32 v3;
	v3 =	vmul.f32 v4, v6  }
0x138: {  	v0 =	vmul.f32 v5, v0  }
0x139: {  	v3 =	vmul.f32 v3, v4  }
0x13a: {  	v0 =	vmul.f32 v0, v7  }
0x13b: {  	v3 =	vsub.f32 $1.500000000e+00, v3  }
0x13c: {  	v0 =	vmul.f32 v0, v62  }
0x13d: {  	v3 =	vmul.f32 v3, v4  }
0x13e: {  	v0 =	vadd.f32 v0, v63  }
0x13f: {  	v4 =	vpop (erf);
	v5 =	vmul.f32 v3, v6  }
0x140: {  	v6 =	vpop (erf);
	v0 =	vsub.f32 $0.0e+00, v0  }
0x141: {  	v6 =	vadd.f32 $1.000000000e+00, v6;
	v5 =	vmul.f32 v5, v3  }
0x142: {  	v0 =	vmul.f32 $1.442695020e+00, v0  }
0x143: {  	(erf) = vrcp.f32 v6;
	v5 =	vsub.f32 $1.500000000e+00, v5  }
0x144: {  	(erf) = vpow2.f32 v0  }
0x145: {  	v0 =	vmul.f32 v5, v3;
	_ =	sdelay $0x1  }
0x146: {  	v0 =	vmul.f32 v0, v1;
	_ =	sdelay $0x1  }
0x147: {  	v0 =	vmul.f32 v0, v62;
	_ =	sdelay $0x1  }
0x148: {  	v0 =	vadd.f32 v0, v63  }
0x149: {  	v1 =	vpop (erf)  }
0x14a: {  	v0 =	vsub.f32 $0.0e+00, v0;
	v3 =	vpop (erf)  }
0x14b: {  	v3 =	vadd.f32 $1.000000000e+00, v3  }
0x14c: {  	v0 =	vmul.f32 $1.442695020e+00, v0  }
0x14d: {  	(erf) = vrcp.f32 v3  }
0x14e: {  	(erf) = vpow2.f32 v0;
	_ =	sdelay $0x7  }
0x14f: {  	v0 =	vpop (erf)  }
0x150: {  	v3 =	vpop (erf)  }
0x151: {  	v3 =	vadd.f32 $1.000000000e+00, v3;
	_ =	sdelay $0x1  }
0x152: {  	(erf) = vrcp.f32 v3;
	_ =	sdelay $0x2  }
0x153: {  	v2 =	vld [tilespmem:$0x1FFE0];
	v3 =	vadd.f32 v4, v20  }
0x154: {  	v26 =	vmov v12;
	v12 =	vld [tilespmem:$0x1FF70]  }
0x155: {  	s2 =	sadd.s32 $0x1, s2;
	v8 =	vld [tilespmem:$0x1FFC0];
	v1 =	vadd.f32 v1, v3  }
0x156: {  	p0 =	sne.s32 s2, s10;
	v7 =	vld [tilespmem:$0x1FFB0]  }
.Ltmp1:
0x157: {  	v6 =	vld [tilespmem:$0x1FFD0];
	(pc) =	sbr.rel @p0 .LBB2_2-.Ltmp1, $4  }
0x158: {  	v4 =	vmov v14;
	v14 =	vld [tilespmem:$0x1FF90];
	v0 =	vadd.f32 v0, v1  }
0x159: {  	v3 =	vmov v13;
	v13 =	vld [tilespmem:$0x1FF80];
	v1 =	vpop (erf)  }
0x15a: {  	v20 =	vadd.f32 v1, v0;
	v1 =	vld [tilespmem:$0x1FFA0]  }
0x15b: {  	v9 =	vmovc v16;
	v16 =	vmovc v19;
	v10 =	vmov v11;
	v5 =	vmov v15;
	v15 =	vmov v17;
	v0 =	vld [tilespmem:$0x1FF60]  }
0x15c: {  	s3 =	sadd.s32 $0x1, s3  }
0x15d: {  	s4 =	simm.s32 $0x0;
	p0 =	sne.s32 s3, s11  }
.Ltmp2:
0x15e: {  	[tilespmem:$0x5620] =	vst v20;
	s0 =	rddreg [dreg:$0x3];
	s2 =	simm.s32 $0x5620;
	(pc) =	sbr.rel @p0 .LBB2_1-.Ltmp2, $4  }
0x15f: {  	[hbm4b:s0+s4] =	stream.linear.scatter [tilespmem:s2], [sflag:$0x2], $0x10, $0x38;
	[tilespmem:$0x5630] =	vst v63  }
0x160: {  	_ =	swait.ge [sflag:s13], $0x10  }
0x161: {  	[sflag:s13] =	ssyncset.done $0x0  }
0x162: {  	[sflag:s13] =	ssyncadd.s32 $0xFFFFFFF0  }
0x163: {  	_ =	sfence.sel $0x180000  }
0x164: {  	[bflag:$0x0] =	sbarrier.arrive $0xFFFF  }
0x165: {  	_ =	strace $0x90000047  }
0x166: {  	s0 =	stileid.u32;
	[bflag:$0x2] =	sbarrier.arrive $0xFFFF  }
0x167: {  	p0 =	sne.s32 s0, $0x0;
	s0 =	rddreg [dreg:$0x2]  }
0x168: {  	s0 =	sadd.s32 @!p0 $0x100000, s0  }
0x169: {  	[sflag:s0] =	ssyncadd.tile.s32 @!p0 $0x1;
	_ =	shalt  }
.Lfunc_end2:
_tile_overlayer_lowered:
.L_overlay_start_2:
0x16a: {  	(tag) =	ssettag $0x2  }
0x16b: {  	s0 =	rddreg [dreg:$0x0];
	s2 =	stileid.u32  }
0x16c: {  	s1 =	rddreg [dreg:$0x1];
	p0 =	sne.s32 s2, $0x0  }
0x16d: {  	s3 =	rddreg [dreg:$0x2];
	[bflag:$0x3] =	sbarrier.arrive $0xFFFF;
	s2 =	simm.s32 @!p0 $0x1C02  }
0x16e: {  	[timem:s3], [sflag:s2] =	dma.local @!p0 [hbm:s0], s1  }
0x16f: {  	s0 =	simm.s32 @!p0 $0x2  }
0x170: {  	_ =	swait.ge @!p0 [sflag:s0], s1  }
0x171: {  	s1 =	ssub.s32 @!p0 $0x0, s1;
	[sflag:s0] =	ssyncset.done @!p0 $0x0  }
0x172: {  	[sflag:s0] =	ssyncadd.s32 @!p0 s1  }
0x173: {  	[bflag:$0x3] =	sbarrier.arrive $0xFFFF  }
0x174: {  	_ =	shalt  }

</sc_bundles>
